<compile_context>
chip_gen: v7x
topology: tpu7x:2x2x1
jax: 0.10.2.dev20260603
libtpu: 0.0.44.dev20260713+nightly
codegen_flags: <defaults>
</compile_context>

<pallas_src>
import jax
import jax.numpy as jnp
from jax import lax
from jax.experimental import pallas as pl
from jax.experimental.pallas import tpu as pltpu
from jax.experimental.pallas import tpu_sc as plsc

NC = 2
NS = 16
NW = NC * NS
LANES = 16
K = 4

N_NODES = 100000
N_LINKS = 199350
NLPAD = 199360
ZPOS = 2 * NLPAD
ZBLK = 4096
ZPER = ZBLK // NS
TABLE = ZPOS + ZBLK
N_W0 = 3312
N_W1 = 2944
N_TAIL = N_NODES - NS * N_W0 - (NS - 1) * N_W1
SC1_BASE = NS * N_W0
IDX_PER_W = K * N_W0
CHUNKS0 = N_W0 // LANES
CHUNKS1 = N_W1 // LANES
TAIL_CHUNKS = N_TAIL // LANES
STAGE = 12464
STAGE_TAIL = N_LINKS - (NS - 1) * STAGE
STAGE_TAIL_UP = 12400


def _sc_body(array_hbm, encT_hbm, status_hbm, area_hbm, out_hbm,
             table_sp, idx_v, gath_v, neg_v, status_v, area_v, out_v,
             sem, sem2):
    cid = lax.axis_index("c")
    sid = lax.axis_index("s")
    is_c0 = cid == 0
    is_tail = jnp.logical_and(cid == 1, sid == NS - 1)
    is_mid1 = jnp.logical_and(cid == 1, sid < NS - 1)
    base0 = pl.multiple_of(sid * N_W0, 8)
    base1 = pl.multiple_of(SC1_BASE + sid * N_W1, 8)
    stage_off = pl.multiple_of(sid * STAGE, 8)

    def stage_pair(cnt):
        return (array_hbm.at[pl.ds(stage_off, cnt)], gath_v.at[pl.ds(0, cnt)])

    def chunk_pairs(base, cnt, stride):
        prs = []
        for j in range(K):
            prs.append((encT_hbm.at[pl.ds(j * N_NODES + base, cnt)],
                        idx_v.at[pl.ds(j * stride, cnt)]))
        prs.append((status_hbm.at[pl.ds(base, cnt)],
                    status_v.at[pl.ds(0, cnt)]))
        prs.append((area_hbm.at[pl.ds(base, cnt)],
                    area_v.at[pl.ds(0, cnt)]))
        return prs

    @pl.when(sid < NS - 1)
    def _():
        s, d = stage_pair(STAGE)
        pltpu.async_copy(s, d, sem2)

    @pl.when(sid == NS - 1)
    def _():
        s, d = stage_pair(STAGE_TAIL)
        pltpu.async_copy(s, d, sem2)

    @pl.when(is_c0)
    def _():
        for s, d in chunk_pairs(base0, N_W0, N_W0):
            pltpu.async_copy(s, d, sem)

    @pl.when(is_mid1)
    def _():
        for s, d in chunk_pairs(base1, N_W1, N_W1):
            pltpu.async_copy(s, d, sem)

    @pl.when(is_tail)
    def _():
        for s, d in chunk_pairs(base1, N_TAIL, N_W1):
            pltpu.async_copy(s, d, sem)

        @plsc.parallel_loop(0, K * (CHUNKS1 - TAIL_CHUNKS), unroll=2)
        def _(i):
            j, c = i // (CHUNKS1 - TAIL_CHUNKS), i % (CHUNKS1 - TAIL_CHUNKS)
            idx_v[pl.ds(j * N_W1 + N_TAIL + c * LANES, LANES)] = (
                jnp.full((LANES,), ZPOS, jnp.int32))

    @plsc.parallel_loop(0, ZPER // LANES, unroll=4)
    def _(i):
        neg_v[pl.ds(i * LANES, LANES)] = jnp.zeros((LANES,), jnp.float32)

    pltpu.sync_copy(neg_v.at[pl.ds(0, ZPER)],
                    table_sp.at[pl.ds(ZPOS + sid * ZPER, ZPER)])

    def publish(cnt, neg_cnt):
        pltpu.make_async_copy(*stage_pair(cnt), sem2).wait()
        pos = pltpu.async_copy(
            gath_v.at[pl.ds(0, cnt)],
            table_sp.at[pl.ds(NLPAD + stage_off, cnt)], sem2)

        @plsc.parallel_loop(0, neg_cnt // LANES, unroll=4)
        def _(i):
            neg_v[pl.ds(i * LANES, LANES)] = -gath_v[pl.ds(i * LANES, LANES)]

        pltpu.sync_copy(neg_v.at[pl.ds(0, neg_cnt)],
                        table_sp.at[pl.ds(stage_off, neg_cnt)])
        pos.wait()

    @pl.when(sid < NS - 1)
    def _():
        publish(STAGE, STAGE)

    @pl.when(sid == NS - 1)
    def _():
        publish(STAGE_TAIL, STAGE_TAIL_UP)

    @pl.when(is_c0)
    def _():
        for s, d in chunk_pairs(base0, N_W0, N_W0):
            pltpu.make_async_copy(s, d, sem).wait()

    @pl.when(is_mid1)
    def _():
        for s, d in chunk_pairs(base1, N_W1, N_W1):
            pltpu.make_async_copy(s, d, sem).wait()

    @pl.when(is_tail)
    def _():
        for s, d in chunk_pairs(base1, N_TAIL, N_W1):
            pltpu.make_async_copy(s, d, sem).wait()

    plsc.subcore_barrier()

    def tail_fn(stride, chunks):
        def fn():
            pltpu.async_copy(table_sp.at[idx_v.at[pl.ds(0, K * stride)]],
                             gath_v.at[pl.ds(0, K * stride)], sem).wait()

            @plsc.parallel_loop(0, chunks, unroll=4)
            def _(c):
                off = c * LANES
                acc = gath_v[pl.ds(off, LANES)]
                for j in range(1, K):
                    acc = acc + gath_v[pl.ds(j * stride + off, LANES)]
                st = status_v[pl.ds(off, LANES)]
                ar = area_v[pl.ds(off, LANES)]
                out_v[pl.ds(off, LANES)] = jnp.where(st == 0, acc / ar, 0.0)
        return fn

    pl.when(is_c0)(tail_fn(N_W0, CHUNKS0))
    pl.when(jnp.logical_not(is_c0))(tail_fn(N_W1, CHUNKS1))

    @pl.when(is_c0)
    def _():
        pltpu.sync_copy(out_v.at[pl.ds(0, N_W0)],
                        out_hbm.at[pl.ds(base0, N_W0)])

    @pl.when(is_mid1)
    def _():
        pltpu.sync_copy(out_v.at[pl.ds(0, N_W1)],
                        out_hbm.at[pl.ds(base1, N_W1)])

    @pl.when(is_tail)
    def _():
        pltpu.sync_copy(out_v.at[pl.ds(0, N_TAIL)],
                        out_hbm.at[pl.ds(base1, N_TAIL)])


@jax.jit
def _flux_div_sc(array, enc_T, status, area):
    mesh = plsc.VectorSubcoreMesh(core_axis_name="c", subcore_axis_name="s")
    run = pl.kernel(
        _sc_body,
        out_type=jax.ShapeDtypeStruct((N_NODES,), jnp.float32),
        mesh=mesh,
        scratch_types=[
            pltpu.VMEM_SHARED((TABLE,), jnp.float32),
            pltpu.VMEM((IDX_PER_W,), jnp.int32),
            pltpu.VMEM((IDX_PER_W,), jnp.float32),
            pltpu.VMEM((IDX_PER_W,), jnp.float32),
            pltpu.VMEM((N_W0,), jnp.int32),
            pltpu.VMEM((N_W0,), jnp.float32),
            pltpu.VMEM((N_W0,), jnp.float32),
            pltpu.SemaphoreType.DMA,
            pltpu.SemaphoreType.DMA,
        ],
        compiler_params=pltpu.CompilerParams(needs_layout_passes=False),
    )
    return run(array, enc_T, status, area)


def kernel(array, cell_area_at_node, links_at_node, link_dirs_at_node, status_at_node):
    enc = jnp.where(
        link_dirs_at_node == 0,
        ZPOS + (links_at_node & (ZBLK - 1)),
        links_at_node + jnp.where(link_dirs_at_node > 0, NLPAD, 0),
    ).astype(jnp.int32)
    enc_T = jnp.swapaxes(enc, 0, 1).reshape(K * N_NODES)
    return _flux_div_sc(array, enc_T, status_at_node, cell_area_at_node)

# --- scband reference (transcript-rebuilt; emitter-appended) ---
"""Pipeline reference for scband-static-grid-84464826843903 (READ-ONLY COPY).

The authoritative reference and input builder live on the scoring server;
editing this copy changes nothing except your own understanding.
"""

import jax, jax.numpy as jnp
import numpy as np

N_NODES = 100000
N_LINKS = 199350
MAX_LINKS_PER_NODE = 4


def setup_inputs(seed: int = 0) -> dict:
    key = jax.random.key(seed)
    k1, k2, k3, k4 = jax.random.split(key, 4)
    # link-valued flux array (forward input to calc_flux_div_at_node)
    array = jax.random.normal(k1, (N_LINKS,), dtype=jnp.float32)
    # grid connectivity buffers (module fields), randomized but in-range
    links_at_node = jax.random.randint(k2, (N_NODES, MAX_LINKS_PER_NODE), 0, N_LINKS, dtype=jnp.int32)
    # link directions in {-1, 0, 1} as in landlab raster grids
    link_dirs_at_node = jax.random.randint(k3, (N_NODES, MAX_LINKS_PER_NODE), -1, 2, dtype=jnp.int32)
    # node status: 0 == core node, nonzero == boundary
    status_at_node = jax.random.randint(k4, (N_NODES,), 0, 2, dtype=jnp.int32)
    # cell areas (ones to keep division well-conditioned)
    cell_area_at_node = jnp.ones((N_NODES,), dtype=jnp.float32)
    return {
        "array": array,
        "cell_area_at_node": cell_area_at_node,
        "links_at_node": links_at_node,
        "link_dirs_at_node": link_dirs_at_node,
        "status_at_node": status_at_node,
    }


def reference(array, cell_area_at_node, links_at_node, link_dirs_at_node, status_at_node):
    # StaticGrid.sum_at_nodes: gather link values at each node, signed sum
    gathered = array[links_at_node]  # [N_NODES, 4] gather
    summed = jnp.sum(link_dirs_at_node.astype(array.dtype) * gathered, axis=1)
    # StaticGrid.calc_flux_div_at_node with dirichlet_boundary=0.0
    div = jnp.where(status_at_node == 0, jnp.divide(summed, cell_area_at_node), 0.0)
    return div

if __name__ == "__main__":
    import jax
    _d = setup_inputs()
    print(jax.jit(kernel)(*tuple(_d.values())))

</pallas_src>

<mosaic_0001>
#map = affine_map<(d0, d1) -> (0)>
module attributes {stable_mosaic.version = 14 : i64} {
  func.func @_sc_body(%arg0: i32, %arg1: i32, %arg2: memref<199350xf32, #tpu.memory_space<hbm>>, %arg3: memref<400000xi32, #tpu.memory_space<hbm>>, %arg4: memref<100000xi32, #tpu.memory_space<hbm>>, %arg5: memref<100000xf32, #tpu.memory_space<hbm>>, %arg6: memref<100000xf32, #tpu.memory_space<hbm>>, %arg7: memref<402816xf32, #tpu.memory_space<vmem_shared>>, %arg8: memref<13248xi32, #tpu.memory_space<vmem>>, %arg9: memref<13248xf32, #tpu.memory_space<vmem>>, %arg10: memref<13248xf32, #tpu.memory_space<vmem>>, %arg11: memref<3312xi32, #tpu.memory_space<vmem>>, %arg12: memref<3312xf32, #tpu.memory_space<vmem>>, %arg13: memref<3312xf32, #tpu.memory_space<vmem>>, %arg14: memref<!tpu.dma_semaphore, #tpu.memory_space<semaphore_mem>>, %arg15: memref<!tpu.dma_semaphore, #tpu.memory_space<semaphore_mem>>) attributes {dimension_semantics = [#tpu.dimension_semantics<core_parallel>, #tpu.dimension_semantics<subcore_parallel>], iteration_bounds = array<i64: 2, 16>, scalar_prefetch = 0 : i64, scratch_operands = 9 : i64, tpu.core_type = #tpu.core_type<sc_vector_subcore>, window_params = [{transform_indices = #map}, {transform_indices = #map}, {transform_indices = #map}, {transform_indices = #map}, {transform_indices = #map}]} {
    %eq3A = arith.constant 0 : i32
    %eq3A_0 = arith.cmpi eq, %arg0, %eq3A : i32
    %eq3A_1 = arith.constant 1 : i32
    %eq3A_2 = arith.cmpi eq, %arg0, %eq3A_1 : i32
    %eq3A_3 = arith.constant 15 : i32
    %eq3A_4 = arith.cmpi eq, %arg1, %eq3A_3 : i32
    %and3A = arith.andi %eq3A_2, %eq3A_4 : i1
    %eq3A_5 = arith.constant 1 : i32
    %eq3A_6 = arith.cmpi eq, %arg0, %eq3A_5 : i32
    %lt3A = arith.constant 15 : i32
    %lt3A_7 = arith.cmpi slt, %arg1, %lt3A : i32
    %and3A_8 = arith.andi %eq3A_6, %lt3A_7 : i1
    %mul3A = arith.constant 3312 : i32
    %mul3A_9 = arith.muli %arg1, %mul3A : i32
    %multiple_of3A = tpu.assume_multiple %mul3A_9, 8 : i32
    %mul3A_10 = arith.constant 2944 : i32
    %mul3A_11 = arith.muli %arg1, %mul3A_10 : i32
    %add3A = arith.constant 52992 : i32
    %add3A_12 = arith.addi %add3A, %mul3A_11 : i32
    %multiple_of3A_13 = tpu.assume_multiple %add3A_12, 8 : i32
    %mul3A_14 = arith.constant 12464 : i32
    %mul3A_15 = arith.muli %arg1, %mul3A_14 : i32
    %multiple_of3A_16 = tpu.assume_multiple %mul3A_15, 8 : i32
    %lt3A_17 = arith.constant 15 : i32
    %lt3A_18 = arith.cmpi slt, %arg1, %lt3A_17 : i32
    %convert_element_type3A = arith.extui %lt3A_18 : i1 to i32
    %cond3A = arith.constant 0 : i32
    %cond3A_19 = arith.cmpi ne, %convert_element_type3A, %cond3A : i32
    scf.if %cond3A_19 {
      %dma_start3A = arith.constant 0 : i32
      %dma_start3A_75 = tpu.memref_slice %arg9[%dma_start3A] : memref<13248xf32, #tpu.memory_space<vmem>> -> memref<12464xf32, #tpu.memory_space<vmem>>
      %dma_start3A_76 = tpu.memref_slice %arg2[%multiple_of3A_16] : memref<199350xf32, #tpu.memory_space<hbm>> -> memref<12464xf32, #tpu.memory_space<hbm>>
      %dma_start3A_77 = arith.constant 0 : i32
      %dma_start3A_78 = tpu.memref_slice %arg9[%dma_start3A_77] : memref<13248xf32, #tpu.memory_space<vmem>> -> memref<12464xf32, #tpu.memory_space<vmem>>
      %dma_start3A_79 = tpu.memref_slice %arg2[%multiple_of3A_16] : memref<199350xf32, #tpu.memory_space<hbm>> -> memref<12464xf32, #tpu.memory_space<hbm>>
      tpu.enqueue_dma source(%dma_start3A_79 : memref<12464xf32, #tpu.memory_space<hbm>>) target(%dma_start3A_78 : memref<12464xf32, #tpu.memory_space<vmem>>) target_semaphore(%arg15 : memref<!tpu.dma_semaphore, #tpu.memory_space<semaphore_mem>>)
    } else {
    }
    %eq3A_20 = arith.constant 15 : i32
    %eq3A_21 = arith.cmpi eq, %arg1, %eq3A_20 : i32
    %convert_element_type3A_22 = arith.extui %eq3A_21 : i1 to i32
    %cond3A_23 = arith.constant 0 : i32
    %cond3A_24 = arith.cmpi ne, %convert_element_type3A_22, %cond3A_23 : i32
    scf.if %cond3A_24 {
      %dma_start3A = arith.constant 0 : i32
      %dma_start3A_75 = tpu.memref_slice %arg9[%dma_start3A] : memref<13248xf32, #tpu.memory_space<vmem>> -> memref<12390xf32, #tpu.memory_space<vmem>>
      %dma_start3A_76 = tpu.memref_slice %arg2[%multiple_of3A_16] : memref<199350xf32, #tpu.memory_space<hbm>> -> memref<12390xf32, #tpu.memory_space<hbm>>
      %dma_start3A_77 = arith.constant 0 : i32
      %dma_start3A_78 = tpu.memref_slice %arg9[%dma_start3A_77] : memref<13248xf32, #tpu.memory_space<vmem>> -> memref<12390xf32, #tpu.memory_space<vmem>>
      %dma_start3A_79 = tpu.memref_slice %arg2[%multiple_of3A_16] : memref<199350xf32, #tpu.memory_space<hbm>> -> memref<12390xf32, #tpu.memory_space<hbm>>
      tpu.enqueue_dma source(%dma_start3A_79 : memref<12390xf32, #tpu.memory_space<hbm>>) target(%dma_start3A_78 : memref<12390xf32, #tpu.memory_space<vmem>>) target_semaphore(%arg15 : memref<!tpu.dma_semaphore, #tpu.memory_space<semaphore_mem>>)
    } else {
    }
    %convert_element_type3A_25 = arith.extui %eq3A_0 : i1 to i32
    %cond3A_26 = arith.constant 0 : i32
    %cond3A_27 = arith.cmpi ne, %convert_element_type3A_25, %cond3A_26 : i32
    scf.if %cond3A_27 {
      %add3A_75 = arith.constant 0 : i32
      %add3A_76 = arith.addi %add3A_75, %multiple_of3A : i32
      %add3A_77 = arith.constant 100000 : i32
      %add3A_78 = arith.addi %add3A_77, %multiple_of3A : i32
      %add3A_79 = arith.constant 200000 : i32
      %add3A_80 = arith.addi %add3A_79, %multiple_of3A : i32
      %add3A_81 = arith.constant 300000 : i32
      %add3A_82 = arith.addi %add3A_81, %multiple_of3A : i32
      %dma_start3A = arith.constant 0 : i32
      %dma_start3A_83 = tpu.memref_slice %arg8[%dma_start3A] : memref<13248xi32, #tpu.memory_space<vmem>> -> memref<3312xi32, #tpu.memory_space<vmem>>
      %dma_start3A_84 = tpu.memref_slice %arg3[%add3A_76] : memref<400000xi32, #tpu.memory_space<hbm>> -> memref<3312xi32, #tpu.memory_space<hbm>>
      %dma_start3A_85 = arith.constant 0 : i32
      %dma_start3A_86 = tpu.memref_slice %arg8[%dma_start3A_85] : memref<13248xi32, #tpu.memory_space<vmem>> -> memref<3312xi32, #tpu.memory_space<vmem>>
      %dma_start3A_87 = tpu.memref_slice %arg3[%add3A_76] : memref<400000xi32, #tpu.memory_space<hbm>> -> memref<3312xi32, #tpu.memory_space<hbm>>
      tpu.enqueue_dma source(%dma_start3A_87 : memref<3312xi32, #tpu.memory_space<hbm>>) target(%dma_start3A_86 : memref<3312xi32, #tpu.memory_space<vmem>>) target_semaphore(%arg14 : memref<!tpu.dma_semaphore, #tpu.memory_space<semaphore_mem>>)
      %dma_start3A_88 = arith.constant 3312 : i32
      %dma_start3A_89 = tpu.memref_slice %arg8[%dma_start3A_88] : memref<13248xi32, #tpu.memory_space<vmem>> -> memref<3312xi32, #tpu.memory_space<vmem>>
      %dma_start3A_90 = tpu.memref_slice %arg3[%add3A_78] : memref<400000xi32, #tpu.memory_space<hbm>> -> memref<3312xi32, #tpu.memory_space<hbm>>
      %dma_start3A_91 = arith.constant 3312 : i32
      %dma_start3A_92 = tpu.memref_slice %arg8[%dma_start3A_91] : memref<13248xi32, #tpu.memory_space<vmem>> -> memref<3312xi32, #tpu.memory_space<vmem>>
      %dma_start3A_93 = tpu.memref_slice %arg3[%add3A_78] : memref<400000xi32, #tpu.memory_space<hbm>> -> memref<3312xi32, #tpu.memory_space<hbm>>
      tpu.enqueue_dma source(%dma_start3A_93 : memref<3312xi32, #tpu.memory_space<hbm>>) target(%dma_start3A_92 : memref<3312xi32, #tpu.memory_space<vmem>>) target_semaphore(%arg14 : memref<!tpu.dma_semaphore, #tpu.memory_space<semaphore_mem>>)
      %dma_start3A_94 = arith.constant 6624 : i32
      %dma_start3A_95 = tpu.memref_slice %arg8[%dma_start3A_94] : memref<13248xi32, #tpu.memory_space<vmem>> -> memref<3312xi32, #tpu.memory_space<vmem>>
      %dma_start3A_96 = tpu.memref_slice %arg3[%add3A_80] : memref<400000xi32, #tpu.memory_space<hbm>> -> memref<3312xi32, #tpu.memory_space<hbm>>
      %dma_start3A_97 = arith.constant 6624 : i32
      %dma_start3A_98 = tpu.memref_slice %arg8[%dma_start3A_97] : memref<13248xi32, #tpu.memory_space<vmem>> -> memref<3312xi32, #tpu.memory_space<vmem>>
      %dma_start3A_99 = tpu.memref_slice %arg3[%add3A_80] : memref<400000xi32, #tpu.memory_space<hbm>> -> memref<3312xi32, #tpu.memory_space<hbm>>
      tpu.enqueue_dma source(%dma_start3A_99 : memref<3312xi32, #tpu.memory_space<hbm>>) target(%dma_start3A_98 : memref<3312xi32, #tpu.memory_space<vmem>>) target_semaphore(%arg14 : memref<!tpu.dma_semaphore, #tpu.memory_space<semaphore_mem>>)
      %dma_start3A_100 = arith.constant 9936 : i32
      %dma_start3A_101 = tpu.memref_slice %arg8[%dma_start3A_100] : memref<13248xi32, #tpu.memory_space<vmem>> -> memref<3312xi32, #tpu.memory_space<vmem>>
      %dma_start3A_102 = tpu.memref_slice %arg3[%add3A_82] : memref<400000xi32, #tpu.memory_space<hbm>> -> memref<3312xi32, #tpu.memory_space<hbm>>
      %dma_start3A_103 = arith.constant 9936 : i32
      %dma_start3A_104 = tpu.memref_slice %arg8[%dma_start3A_103] : memref<13248xi32, #tpu.memory_space<vmem>> -> memref<3312xi32, #tpu.memory_space<vmem>>
      %dma_start3A_105 = tpu.memref_slice %arg3[%add3A_82] : memref<400000xi32, #tpu.memory_space<hbm>> -> memref<3312xi32, #tpu.memory_space<hbm>>
      tpu.enqueue_dma source(%dma_start3A_105 : memref<3312xi32, #tpu.memory_space<hbm>>) target(%dma_start3A_104 : memref<3312xi32, #tpu.memory_space<vmem>>) target_semaphore(%arg14 : memref<!tpu.dma_semaphore, #tpu.memory_space<semaphore_mem>>)
      %dma_start3A_106 = arith.constant 0 : i32
      %dma_start3A_107 = tpu.memref_slice %arg11[%dma_start3A_106] : memref<3312xi32, #tpu.memory_space<vmem>> -> memref<3312xi32, #tpu.memory_space<vmem>>
      %dma_start3A_108 = tpu.memref_slice %arg4[%multiple_of3A] : memref<100000xi32, #tpu.memory_space<hbm>> -> memref<3312xi32, #tpu.memory_space<hbm>>
      %dma_start3A_109 = arith.constant 0 : i32
      %dma_start3A_110 = tpu.memref_slice %arg11[%dma_start3A_109] : memref<3312xi32, #tpu.memory_space<vmem>> -> memref<3312xi32, #tpu.memory_space<vmem>>
      %dma_start3A_111 = tpu.memref_slice %arg4[%multiple_of3A] : memref<100000xi32, #tpu.memory_space<hbm>> -> memref<3312xi32, #tpu.memory_space<hbm>>
      tpu.enqueue_dma source(%dma_start3A_111 : memref<3312xi32, #tpu.memory_space<hbm>>) target(%dma_start3A_110 : memref<3312xi32, #tpu.memory_space<vmem>>) target_semaphore(%arg14 : memref<!tpu.dma_semaphore, #tpu.memory_space<semaphore_mem>>)
      %dma_start3A_112 = arith.constant 0 : i32
      %dma_start3A_113 = tpu.memref_slice %arg12[%dma_start3A_112] : memref<3312xf32, #tpu.memory_space<vmem>> -> memref<3312xf32, #tpu.memory_space<vmem>>
      %dma_start3A_114 = tpu.memref_slice %arg5[%multiple_of3A] : memref<100000xf32, #tpu.memory_space<hbm>> -> memref<3312xf32, #tpu.memory_space<hbm>>
      %dma_start3A_115 = arith.constant 0 : i32
      %dma_start3A_116 = tpu.memref_slice %arg12[%dma_start3A_115] : memref<3312xf32, #tpu.memory_space<vmem>> -> memref<3312xf32, #tpu.memory_space<vmem>>
      %dma_start3A_117 = tpu.memref_slice %arg5[%multiple_of3A] : memref<100000xf32, #tpu.memory_space<hbm>> -> memref<3312xf32, #tpu.memory_space<hbm>>
      tpu.enqueue_dma source(%dma_start3A_117 : memref<3312xf32, #tpu.memory_space<hbm>>) target(%dma_start3A_116 : memref<3312xf32, #tpu.memory_space<vmem>>) target_semaphore(%arg14 : memref<!tpu.dma_semaphore, #tpu.memory_space<semaphore_mem>>)
    } else {
    }
    %convert_element_type3A_28 = arith.extui %and3A_8 : i1 to i32
    %cond3A_29 = arith.constant 0 : i32
    %cond3A_30 = arith.cmpi ne, %convert_element_type3A_28, %cond3A_29 : i32
    scf.if %cond3A_30 {
      %add3A_75 = arith.constant 0 : i32
      %add3A_76 = arith.addi %add3A_75, %multiple_of3A_13 : i32
      %add3A_77 = arith.constant 100000 : i32
      %add3A_78 = arith.addi %add3A_77, %multiple_of3A_13 : i32
      %add3A_79 = arith.constant 200000 : i32
      %add3A_80 = arith.addi %add3A_79, %multiple_of3A_13 : i32
      %add3A_81 = arith.constant 300000 : i32
      %add3A_82 = arith.addi %add3A_81, %multiple_of3A_13 : i32
      %dma_start3A = arith.constant 0 : i32
      %dma_start3A_83 = tpu.memref_slice %arg8[%dma_start3A] : memref<13248xi32, #tpu.memory_space<vmem>> -> memref<2944xi32, #tpu.memory_space<vmem>>
      %dma_start3A_84 = tpu.memref_slice %arg3[%add3A_76] : memref<400000xi32, #tpu.memory_space<hbm>> -> memref<2944xi32, #tpu.memory_space<hbm>>
      %dma_start3A_85 = arith.constant 0 : i32
      %dma_start3A_86 = tpu.memref_slice %arg8[%dma_start3A_85] : memref<13248xi32, #tpu.memory_space<vmem>> -> memref<2944xi32, #tpu.memory_space<vmem>>
      %dma_start3A_87 = tpu.memref_slice %arg3[%add3A_76] : memref<400000xi32, #tpu.memory_space<hbm>> -> memref<2944xi32, #tpu.memory_space<hbm>>
      tpu.enqueue_dma source(%dma_start3A_87 : memref<2944xi32, #tpu.memory_space<hbm>>) target(%dma_start3A_86 : memref<2944xi32, #tpu.memory_space<vmem>>) target_semaphore(%arg14 : memref<!tpu.dma_semaphore, #tpu.memory_space<semaphore_mem>>)
      %dma_start3A_88 = arith.constant 2944 : i32
      %dma_start3A_89 = tpu.memref_slice %arg8[%dma_start3A_88] : memref<13248xi32, #tpu.memory_space<vmem>> -> memref<2944xi32, #tpu.memory_space<vmem>>
      %dma_start3A_90 = tpu.memref_slice %arg3[%add3A_78] : memref<400000xi32, #tpu.memory_space<hbm>> -> memref<2944xi32, #tpu.memory_space<hbm>>
      %dma_start3A_91 = arith.constant 2944 : i32
      %dma_start3A_92 = tpu.memref_slice %arg8[%dma_start3A_91] : memref<13248xi32, #tpu.memory_space<vmem>> -> memref<2944xi32, #tpu.memory_space<vmem>>
      %dma_start3A_93 = tpu.memref_slice %arg3[%add3A_78] : memref<400000xi32, #tpu.memory_space<hbm>> -> memref<2944xi32, #tpu.memory_space<hbm>>
      tpu.enqueue_dma source(%dma_start3A_93 : memref<2944xi32, #tpu.memory_space<hbm>>) target(%dma_start3A_92 : memref<2944xi32, #tpu.memory_space<vmem>>) target_semaphore(%arg14 : memref<!tpu.dma_semaphore, #tpu.memory_space<semaphore_mem>>)
      %dma_start3A_94 = arith.constant 5888 : i32
      %dma_start3A_95 = tpu.memref_slice %arg8[%dma_start3A_94] : memref<13248xi32, #tpu.memory_space<vmem>> -> memref<2944xi32, #tpu.memory_space<vmem>>
      %dma_start3A_96 = tpu.memref_slice %arg3[%add3A_80] : memref<400000xi32, #tpu.memory_space<hbm>> -> memref<2944xi32, #tpu.memory_space<hbm>>
      %dma_start3A_97 = arith.constant 5888 : i32
      %dma_start3A_98 = tpu.memref_slice %arg8[%dma_start3A_97] : memref<13248xi32, #tpu.memory_space<vmem>> -> memref<2944xi32, #tpu.memory_space<vmem>>
      %dma_start3A_99 = tpu.memref_slice %arg3[%add3A_80] : memref<400000xi32, #tpu.memory_space<hbm>> -> memref<2944xi32, #tpu.memory_space<hbm>>
      tpu.enqueue_dma source(%dma_start3A_99 : memref<2944xi32, #tpu.memory_space<hbm>>) target(%dma_start3A_98 : memref<2944xi32, #tpu.memory_space<vmem>>) target_semaphore(%arg14 : memref<!tpu.dma_semaphore, #tpu.memory_space<semaphore_mem>>)
      %dma_start3A_100 = arith.constant 8832 : i32
      %dma_start3A_101 = tpu.memref_slice %arg8[%dma_start3A_100] : memref<13248xi32, #tpu.memory_space<vmem>> -> memref<2944xi32, #tpu.memory_space<vmem>>
      %dma_start3A_102 = tpu.memref_slice %arg3[%add3A_82] : memref<400000xi32, #tpu.memory_space<hbm>> -> memref<2944xi32, #tpu.memory_space<hbm>>
      %dma_start3A_103 = arith.constant 8832 : i32
      %dma_start3A_104 = tpu.memref_slice %arg8[%dma_start3A_103] : memref<13248xi32, #tpu.memory_space<vmem>> -> memref<2944xi32, #tpu.memory_space<vmem>>
      %dma_start3A_105 = tpu.memref_slice %arg3[%add3A_82] : memref<400000xi32, #tpu.memory_space<hbm>> -> memref<2944xi32, #tpu.memory_space<hbm>>
      tpu.enqueue_dma source(%dma_start3A_105 : memref<2944xi32, #tpu.memory_space<hbm>>) target(%dma_start3A_104 : memref<2944xi32, #tpu.memory_space<vmem>>) target_semaphore(%arg14 : memref<!tpu.dma_semaphore, #tpu.memory_space<semaphore_mem>>)
      %dma_start3A_106 = arith.constant 0 : i32
      %dma_start3A_107 = tpu.memref_slice %arg11[%dma_start3A_106] : memref<3312xi32, #tpu.memory_space<vmem>> -> memref<2944xi32, #tpu.memory_space<vmem>>
      %dma_start3A_108 = tpu.memref_slice %arg4[%multiple_of3A_13] : memref<100000xi32, #tpu.memory_space<hbm>> -> memref<2944xi32, #tpu.memory_space<hbm>>
      %dma_start3A_109 = arith.constant 0 : i32
      %dma_start3A_110 = tpu.memref_slice %arg11[%dma_start3A_109] : memref<3312xi32, #tpu.memory_space<vmem>> -> memref<2944xi32, #tpu.memory_space<vmem>>
      %dma_start3A_111 = tpu.memref_slice %arg4[%multiple_of3A_13] : memref<100000xi32, #tpu.memory_space<hbm>> -> memref<2944xi32, #tpu.memory_space<hbm>>
      tpu.enqueue_dma source(%dma_start3A_111 : memref<2944xi32, #tpu.memory_space<hbm>>) target(%dma_start3A_110 : memref<2944xi32, #tpu.memory_space<vmem>>) target_semaphore(%arg14 : memref<!tpu.dma_semaphore, #tpu.memory_space<semaphore_mem>>)
      %dma_start3A_112 = arith.constant 0 : i32
      %dma_start3A_113 = tpu.memref_slice %arg12[%dma_start3A_112] : memref<3312xf32, #tpu.memory_space<vmem>> -> memref<2944xf32, #tpu.memory_space<vmem>>
      %dma_start3A_114 = tpu.memref_slice %arg5[%multiple_of3A_13] : memref<100000xf32, #tpu.memory_space<hbm>> -> memref<2944xf32, #tpu.memory_space<hbm>>
      %dma_start3A_115 = arith.constant 0 : i32
      %dma_start3A_116 = tpu.memref_slice %arg12[%dma_start3A_115] : memref<3312xf32, #tpu.memory_space<vmem>> -> memref<2944xf32, #tpu.memory_space<vmem>>
      %dma_start3A_117 = tpu.memref_slice %arg5[%multiple_of3A_13] : memref<100000xf32, #tpu.memory_space<hbm>> -> memref<2944xf32, #tpu.memory_space<hbm>>
      tpu.enqueue_dma source(%dma_start3A_117 : memref<2944xf32, #tpu.memory_space<hbm>>) target(%dma_start3A_116 : memref<2944xf32, #tpu.memory_space<vmem>>) target_semaphore(%arg14 : memref<!tpu.dma_semaphore, #tpu.memory_space<semaphore_mem>>)
    } else {
    }
    %convert_element_type3A_31 = arith.extui %and3A : i1 to i32
    %cond3A_32 = arith.constant 0 : i32
    %cond3A_33 = arith.cmpi ne, %convert_element_type3A_31, %cond3A_32 : i32
    scf.if %cond3A_33 {
      %add3A_75 = arith.constant 0 : i32
      %add3A_76 = arith.addi %add3A_75, %multiple_of3A_13 : i32
      %add3A_77 = arith.constant 100000 : i32
      %add3A_78 = arith.addi %add3A_77, %multiple_of3A_13 : i32
      %add3A_79 = arith.constant 200000 : i32
      %add3A_80 = arith.addi %add3A_79, %multiple_of3A_13 : i32
      %add3A_81 = arith.constant 300000 : i32
      %add3A_82 = arith.addi %add3A_81, %multiple_of3A_13 : i32
      %dma_start3A = arith.constant 0 : i32
      %dma_start3A_83 = tpu.memref_slice %arg8[%dma_start3A] : memref<13248xi32, #tpu.memory_space<vmem>> -> memref<2848xi32, #tpu.memory_space<vmem>>
      %dma_start3A_84 = tpu.memref_slice %arg3[%add3A_76] : memref<400000xi32, #tpu.memory_space<hbm>> -> memref<2848xi32, #tpu.memory_space<hbm>>
      %dma_start3A_85 = arith.constant 0 : i32
      %dma_start3A_86 = tpu.memref_slice %arg8[%dma_start3A_85] : memref<13248xi32, #tpu.memory_space<vmem>> -> memref<2848xi32, #tpu.memory_space<vmem>>
      %dma_start3A_87 = tpu.memref_slice %arg3[%add3A_76] : memref<400000xi32, #tpu.memory_space<hbm>> -> memref<2848xi32, #tpu.memory_space<hbm>>
      tpu.enqueue_dma source(%dma_start3A_87 : memref<2848xi32, #tpu.memory_space<hbm>>) target(%dma_start3A_86 : memref<2848xi32, #tpu.memory_space<vmem>>) target_semaphore(%arg14 : memref<!tpu.dma_semaphore, #tpu.memory_space<semaphore_mem>>)
      %dma_start3A_88 = arith.constant 2944 : i32
      %dma_start3A_89 = tpu.memref_slice %arg8[%dma_start3A_88] : memref<13248xi32, #tpu.memory_space<vmem>> -> memref<2848xi32, #tpu.memory_space<vmem>>
      %dma_start3A_90 = tpu.memref_slice %arg3[%add3A_78] : memref<400000xi32, #tpu.memory_space<hbm>> -> memref<2848xi32, #tpu.memory_space<hbm>>
      %dma_start3A_91 = arith.constant 2944 : i32
      %dma_start3A_92 = tpu.memref_slice %arg8[%dma_start3A_91] : memref<13248xi32, #tpu.memory_space<vmem>> -> memref<2848xi32, #tpu.memory_space<vmem>>
      %dma_start3A_93 = tpu.memref_slice %arg3[%add3A_78] : memref<400000xi32, #tpu.memory_space<hbm>> -> memref<2848xi32, #tpu.memory_space<hbm>>
      tpu.enqueue_dma source(%dma_start3A_93 : memref<2848xi32, #tpu.memory_space<hbm>>) target(%dma_start3A_92 : memref<2848xi32, #tpu.memory_space<vmem>>) target_semaphore(%arg14 : memref<!tpu.dma_semaphore, #tpu.memory_space<semaphore_mem>>)
      %dma_start3A_94 = arith.constant 5888 : i32
      %dma_start3A_95 = tpu.memref_slice %arg8[%dma_start3A_94] : memref<13248xi32, #tpu.memory_space<vmem>> -> memref<2848xi32, #tpu.memory_space<vmem>>
      %dma_start3A_96 = tpu.memref_slice %arg3[%add3A_80] : memref<400000xi32, #tpu.memory_space<hbm>> -> memref<2848xi32, #tpu.memory_space<hbm>>
      %dma_start3A_97 = arith.constant 5888 : i32
      %dma_start3A_98 = tpu.memref_slice %arg8[%dma_start3A_97] : memref<13248xi32, #tpu.memory_space<vmem>> -> memref<2848xi32, #tpu.memory_space<vmem>>
      %dma_start3A_99 = tpu.memref_slice %arg3[%add3A_80] : memref<400000xi32, #tpu.memory_space<hbm>> -> memref<2848xi32, #tpu.memory_space<hbm>>
      tpu.enqueue_dma source(%dma_start3A_99 : memref<2848xi32, #tpu.memory_space<hbm>>) target(%dma_start3A_98 : memref<2848xi32, #tpu.memory_space<vmem>>) target_semaphore(%arg14 : memref<!tpu.dma_semaphore, #tpu.memory_space<semaphore_mem>>)
      %dma_start3A_100 = arith.constant 8832 : i32
      %dma_start3A_101 = tpu.memref_slice %arg8[%dma_start3A_100] : memref<13248xi32, #tpu.memory_space<vmem>> -> memref<2848xi32, #tpu.memory_space<vmem>>
      %dma_start3A_102 = tpu.memref_slice %arg3[%add3A_82] : memref<400000xi32, #tpu.memory_space<hbm>> -> memref<2848xi32, #tpu.memory_space<hbm>>
      %dma_start3A_103 = arith.constant 8832 : i32
      %dma_start3A_104 = tpu.memref_slice %arg8[%dma_start3A_103] : memref<13248xi32, #tpu.memory_space<vmem>> -> memref<2848xi32, #tpu.memory_space<vmem>>
      %dma_start3A_105 = tpu.memref_slice %arg3[%add3A_82] : memref<400000xi32, #tpu.memory_space<hbm>> -> memref<2848xi32, #tpu.memory_space<hbm>>
      tpu.enqueue_dma source(%dma_start3A_105 : memref<2848xi32, #tpu.memory_space<hbm>>) target(%dma_start3A_104 : memref<2848xi32, #tpu.memory_space<vmem>>) target_semaphore(%arg14 : memref<!tpu.dma_semaphore, #tpu.memory_space<semaphore_mem>>)
      %dma_start3A_106 = arith.constant 0 : i32
      %dma_start3A_107 = tpu.memref_slice %arg11[%dma_start3A_106] : memref<3312xi32, #tpu.memory_space<vmem>> -> memref<2848xi32, #tpu.memory_space<vmem>>
      %dma_start3A_108 = tpu.memref_slice %arg4[%multiple_of3A_13] : memref<100000xi32, #tpu.memory_space<hbm>> -> memref<2848xi32, #tpu.memory_space<hbm>>
      %dma_start3A_109 = arith.constant 0 : i32
      %dma_start3A_110 = tpu.memref_slice %arg11[%dma_start3A_109] : memref<3312xi32, #tpu.memory_space<vmem>> -> memref<2848xi32, #tpu.memory_space<vmem>>
      %dma_start3A_111 = tpu.memref_slice %arg4[%multiple_of3A_13] : memref<100000xi32, #tpu.memory_space<hbm>> -> memref<2848xi32, #tpu.memory_space<hbm>>
      tpu.enqueue_dma source(%dma_start3A_111 : memref<2848xi32, #tpu.memory_space<hbm>>) target(%dma_start3A_110 : memref<2848xi32, #tpu.memory_space<vmem>>) target_semaphore(%arg14 : memref<!tpu.dma_semaphore, #tpu.memory_space<semaphore_mem>>)
      %dma_start3A_112 = arith.constant 0 : i32
      %dma_start3A_113 = tpu.memref_slice %arg12[%dma_start3A_112] : memref<3312xf32, #tpu.memory_space<vmem>> -> memref<2848xf32, #tpu.memory_space<vmem>>
      %dma_start3A_114 = tpu.memref_slice %arg5[%multiple_of3A_13] : memref<100000xf32, #tpu.memory_space<hbm>> -> memref<2848xf32, #tpu.memory_space<hbm>>
      %dma_start3A_115 = arith.constant 0 : i32
      %dma_start3A_116 = tpu.memref_slice %arg12[%dma_start3A_115] : memref<3312xf32, #tpu.memory_space<vmem>> -> memref<2848xf32, #tpu.memory_space<vmem>>
      %dma_start3A_117 = tpu.memref_slice %arg5[%multiple_of3A_13] : memref<100000xf32, #tpu.memory_space<hbm>> -> memref<2848xf32, #tpu.memory_space<hbm>>
      tpu.enqueue_dma source(%dma_start3A_117 : memref<2848xf32, #tpu.memory_space<hbm>>) target(%dma_start3A_116 : memref<2848xf32, #tpu.memory_space<vmem>>) target_semaphore(%arg14 : memref<!tpu.dma_semaphore, #tpu.memory_space<semaphore_mem>>)
      %parallel_loop3A_118 = arith.constant 0 : i32
      %parallel_loop3A_119 = arith.constant 24 : i32
      %parallel_loop3A_120 = arith.constant 1 : i32
      scf.for %parallel_loop3A_121 = %parallel_loop3A_118 to %parallel_loop3A_119 step %parallel_loop3A_120  : i32 {
        %parallel_loop3A_122 = arith.constant 6 : i32
        %parallel_loop3A_123 = arith.divsi %parallel_loop3A_121, %parallel_loop3A_122 : i32
        %parallel_loop3A_124 = arith.constant 0 : i32
        %parallel_loop3A_125 = arith.cmpi sgt, %parallel_loop3A_121, %parallel_loop3A_124 : i32
        %parallel_loop3A_126 = arith.extui %parallel_loop3A_125 : i1 to i32
        %parallel_loop3A_127 = arith.constant 0 : i32
        %parallel_loop3A_128 = arith.cmpi slt, %parallel_loop3A_121, %parallel_loop3A_127 : i32
        %parallel_loop3A_129 = arith.extui %parallel_loop3A_128 : i1 to i32
        %parallel_loop3A_130 = arith.subi %parallel_loop3A_126, %parallel_loop3A_129 : i32
        %parallel_loop3A_131 = arith.constant 0 : i32
        %parallel_loop3A_132 = arith.cmpi sgt, %parallel_loop3A_122, %parallel_loop3A_131 : i32
        %parallel_loop3A_133 = arith.extui %parallel_loop3A_132 : i1 to i32
        %parallel_loop3A_134 = arith.constant 0 : i32
        %parallel_loop3A_135 = arith.cmpi slt, %parallel_loop3A_122, %parallel_loop3A_134 : i32
        %parallel_loop3A_136 = arith.extui %parallel_loop3A_135 : i1 to i32
        %parallel_loop3A_137 = arith.subi %parallel_loop3A_133, %parallel_loop3A_136 : i32
        %parallel_loop3A_138 = arith.cmpi ne, %parallel_loop3A_130, %parallel_loop3A_137 : i32
        %parallel_loop3A_139 = arith.remsi %parallel_loop3A_121, %parallel_loop3A_122 : i32
        %parallel_loop3A_140 = arith.constant 0 : i32
        %parallel_loop3A_141 = arith.cmpi ne, %parallel_loop3A_139, %parallel_loop3A_140 : i32
        %parallel_loop3A_142 = arith.andi %parallel_loop3A_138, %parallel_loop3A_141 : i1
        %parallel_loop3A_143 = arith.constant 1 : i32
        %parallel_loop3A_144 = arith.subi %parallel_loop3A_123, %parallel_loop3A_143 : i32
        %parallel_loop3A_145 = arith.select %parallel_loop3A_142, %parallel_loop3A_144, %parallel_loop3A_123 : i32
        %parallel_loop3A_146 = arith.constant 6 : i32
        %parallel_loop3A_147 = arith.constant 0 : i32
        %parallel_loop3A_148 = arith.cmpi eq, %parallel_loop3A_146, %parallel_loop3A_147 : i32
        %parallel_loop3A_149 = arith.constant 1 : i32
        %parallel_loop3A_150 = arith.select %parallel_loop3A_148, %parallel_loop3A_149, %parallel_loop3A_146 : i32
        %parallel_loop3A_151 = arith.remsi %parallel_loop3A_121, %parallel_loop3A_150 : i32
        %parallel_loop3A_152 = arith.constant 0 : i32
        %parallel_loop3A_153 = arith.cmpi ne, %parallel_loop3A_151, %parallel_loop3A_152 : i32
        %parallel_loop3A_154 = arith.constant 0 : i32
        %parallel_loop3A_155 = arith.cmpi slt, %parallel_loop3A_151, %parallel_loop3A_154 : i32
        %parallel_loop3A_156 = arith.constant 0 : i32
        %parallel_loop3A_157 = arith.cmpi slt, %parallel_loop3A_150, %parallel_loop3A_156 : i32
        %parallel_loop3A_158 = arith.xori %parallel_loop3A_155, %parallel_loop3A_157 : i1
        %parallel_loop3A_159 = arith.andi %parallel_loop3A_158, %parallel_loop3A_153 : i1
        %parallel_loop3A_160 = arith.addi %parallel_loop3A_151, %parallel_loop3A_150 : i32
        %parallel_loop3A_161 = arith.select %parallel_loop3A_159, %parallel_loop3A_160, %parallel_loop3A_151 : i32
        %parallel_loop3A_162 = arith.constant 398720 : i32
        %parallel_loop3A_163 = vector.broadcast %parallel_loop3A_162 : i32 to vector<16xi32>
        %parallel_loop3A_164 = arith.constant 2944 : i32
        %parallel_loop3A_165 = arith.muli %parallel_loop3A_145, %parallel_loop3A_164 : i32
        %parallel_loop3A_166 = arith.constant 2848 : i32
        %parallel_loop3A_167 = arith.addi %parallel_loop3A_165, %parallel_loop3A_166 : i32
        %parallel_loop3A_168 = arith.constant 16 : i32
        %parallel_loop3A_169 = arith.muli %parallel_loop3A_161, %parallel_loop3A_168 : i32
        %parallel_loop3A_170 = arith.addi %parallel_loop3A_167, %parallel_loop3A_169 : i32
        %parallel_loop3A_171 = arith.index_cast %parallel_loop3A_170 : i32 to index
        %parallel_loop3A_172 = tpu.vector_load %arg8[%parallel_loop3A_171] {strides = array<i32>} : memref<13248xi32, #tpu.memory_space<vmem>>, vector<16xi32>,
        tpu.vector_store %arg8[%parallel_loop3A_171], %parallel_loop3A_163 {strides = array<i32>} : memref<13248xi32, #tpu.memory_space<vmem>>, vector<16xi32>,
      } {sc.loop_unroll_factor = 2 : i64, sc.parallel_access}
    } else {
    }
    %parallel_loop3A = arith.constant 0 : i32
    %parallel_loop3A_34 = arith.constant 16 : i32
    %parallel_loop3A_35 = arith.constant 1 : i32
    scf.for %parallel_loop3A_75 = %parallel_loop3A to %parallel_loop3A_34 step %parallel_loop3A_35  : i32 {
      %parallel_loop3A_76 = arith.constant 0.000000e+00 : f32
      %parallel_loop3A_77 = vector.broadcast %parallel_loop3A_76 : f32 to vector<16xf32>
      %parallel_loop3A_78 = arith.constant 16 : i32
      %parallel_loop3A_79 = arith.muli %parallel_loop3A_75, %parallel_loop3A_78 : i32
      %parallel_loop3A_80 = arith.index_cast %parallel_loop3A_79 : i32 to index
      %parallel_loop3A_81 = tpu.vector_load %arg10[%parallel_loop3A_80] {strides = array<i32>} : memref<13248xf32, #tpu.memory_space<vmem>>, vector<16xf32>,
      tpu.vector_store %arg10[%parallel_loop3A_80], %parallel_loop3A_77 {strides = array<i32>} : memref<13248xf32, #tpu.memory_space<vmem>>, vector<16xf32>,
    } {sc.loop_unroll_factor = 4 : i64, sc.parallel_access}
    %mul3A_36 = arith.constant 256 : i32
    %mul3A_37 = arith.muli %arg1, %mul3A_36 : i32
    %add3A_38 = arith.constant 398720 : i32
    %add3A_39 = arith.addi %add3A_38, %mul3A_37 : i32
    "tpu.region"() ({
      %run_scoped3A = tpu.sem_alloc : memref<!tpu.dma_semaphore, #tpu.memory_space<semaphore_mem>>
      %dma_start3A = arith.constant 0 : i32
      %dma_start3A_75 = tpu.memref_slice %arg10[%dma_start3A] : memref<13248xf32, #tpu.memory_space<vmem>> -> memref<256xf32, #tpu.memory_space<vmem>>
      %dma_start3A_76 = tpu.memref_slice %arg7[%add3A_39] : memref<402816xf32, #tpu.memory_space<vmem_shared>> -> memref<256xf32, #tpu.memory_space<vmem_shared>>
      %dma_start3A_77 = tpu.memref_slice %arg7[%add3A_39] : memref<402816xf32, #tpu.memory_space<vmem_shared>> -> memref<256xf32, #tpu.memory_space<vmem_shared>>
      %dma_start3A_78 = arith.constant 0 : i32
      %dma_start3A_79 = tpu.memref_slice %arg10[%dma_start3A_78] : memref<13248xf32, #tpu.memory_space<vmem>> -> memref<256xf32, #tpu.memory_space<vmem>>
      tpu.enqueue_dma source(%dma_start3A_79 : memref<256xf32, #tpu.memory_space<vmem>>) target(%dma_start3A_77 : memref<256xf32, #tpu.memory_space<vmem_shared>>) target_semaphore(%run_scoped3A : memref<!tpu.dma_semaphore, #tpu.memory_space<semaphore_mem>>)
      %dma_wait3A = arith.constant 0 : i32
      %dma_wait3A_80 = tpu.memref_slice %arg10[%dma_wait3A] : memref<13248xf32, #tpu.memory_space<vmem>> -> memref<256xf32, #tpu.memory_space<vmem>>
      %dma_wait3A_81 = tpu.memref_slice %arg7[%add3A_39] : memref<402816xf32, #tpu.memory_space<vmem_shared>> -> memref<256xf32, #tpu.memory_space<vmem_shared>>
      %dma_wait3A_82 = tpu.memref_slice %arg7[%add3A_39] : memref<402816xf32, #tpu.memory_space<vmem_shared>> -> memref<256xf32, #tpu.memory_space<vmem_shared>>
      %dma_wait3A_83 = arith.constant 0 : i32
      %dma_wait3A_84 = tpu.memref_slice %arg10[%dma_wait3A_83] : memref<13248xf32, #tpu.memory_space<vmem>> -> memref<256xf32, #tpu.memory_space<vmem>>
      tpu.wait_dma2 semaphore(%run_scoped3A : memref<!tpu.dma_semaphore, #tpu.memory_space<semaphore_mem>>) src(%dma_wait3A_84 : memref<256xf32, #tpu.memory_space<vmem>>) dst(%dma_wait3A_82 : memref<256xf32, #tpu.memory_space<vmem_shared>>)
      tpu.yield
    }) : () -> ()
    %lt3A_40 = arith.constant 15 : i32
    %lt3A_41 = arith.cmpi slt, %arg1, %lt3A_40 : i32
    %convert_element_type3A_42 = arith.extui %lt3A_41 : i1 to i32
    %cond3A_43 = arith.constant 0 : i32
    %cond3A_44 = arith.cmpi ne, %convert_element_type3A_42, %cond3A_43 : i32
    scf.if %cond3A_44 {
      %dma_wait3A = arith.constant 0 : i32
      %dma_wait3A_75 = tpu.memref_slice %arg9[%dma_wait3A] : memref<13248xf32, #tpu.memory_space<vmem>> -> memref<12464xf32, #tpu.memory_space<vmem>>
      %dma_wait3A_76 = tpu.memref_slice %arg2[%multiple_of3A_16] : memref<199350xf32, #tpu.memory_space<hbm>> -> memref<12464xf32, #tpu.memory_space<hbm>>
      %dma_wait3A_77 = arith.constant 0 : i32
      %dma_wait3A_78 = tpu.memref_slice %arg9[%dma_wait3A_77] : memref<13248xf32, #tpu.memory_space<vmem>> -> memref<12464xf32, #tpu.memory_space<vmem>>
      %dma_wait3A_79 = tpu.memref_slice %arg2[%multiple_of3A_16] : memref<199350xf32, #tpu.memory_space<hbm>> -> memref<12464xf32, #tpu.memory_space<hbm>>
      tpu.wait_dma2 semaphore(%arg15 : memref<!tpu.dma_semaphore, #tpu.memory_space<semaphore_mem>>) src(%dma_wait3A_79 : memref<12464xf32, #tpu.memory_space<hbm>>) dst(%dma_wait3A_78 : memref<12464xf32, #tpu.memory_space<vmem>>)
      %add3A_80 = arith.constant 199360 : i32
      %add3A_81 = arith.addi %add3A_80, %multiple_of3A_16 : i32
      %dma_start3A = arith.constant 0 : i32
      %dma_start3A_82 = tpu.memref_slice %arg9[%dma_start3A] : memref<13248xf32, #tpu.memory_space<vmem>> -> memref<12464xf32, #tpu.memory_space<vmem>>
      %dma_start3A_83 = tpu.memref_slice %arg7[%add3A_81] : memref<402816xf32, #tpu.memory_space<vmem_shared>> -> memref<12464xf32, #tpu.memory_space<vmem_shared>>
      %dma_start3A_84 = tpu.memref_slice %arg7[%add3A_81] : memref<402816xf32, #tpu.memory_space<vmem_shared>> -> memref<12464xf32, #tpu.memory_space<vmem_shared>>
      %dma_start3A_85 = arith.constant 0 : i32
      %dma_start3A_86 = tpu.memref_slice %arg9[%dma_start3A_85] : memref<13248xf32, #tpu.memory_space<vmem>> -> memref<12464xf32, #tpu.memory_space<vmem>>
      tpu.enqueue_dma source(%dma_start3A_86 : memref<12464xf32, #tpu.memory_space<vmem>>) target(%dma_start3A_84 : memref<12464xf32, #tpu.memory_space<vmem_shared>>) target_semaphore(%arg15 : memref<!tpu.dma_semaphore, #tpu.memory_space<semaphore_mem>>)
      %parallel_loop3A_87 = arith.constant 0 : i32
      %parallel_loop3A_88 = arith.constant 779 : i32
      %parallel_loop3A_89 = arith.constant 1 : i32
      scf.for %parallel_loop3A_96 = %parallel_loop3A_87 to %parallel_loop3A_88 step %parallel_loop3A_89  : i32 {
        %parallel_loop3A_97 = arith.constant 16 : i32
        %parallel_loop3A_98 = arith.muli %parallel_loop3A_96, %parallel_loop3A_97 : i32
        %parallel_loop3A_99 = arith.index_cast %parallel_loop3A_98 : i32 to index
        %parallel_loop3A_100 = tpu.vector_load %arg9[%parallel_loop3A_99] {strides = array<i32>} : memref<13248xf32, #tpu.memory_space<vmem>>, vector<16xf32>,
        %parallel_loop3A_101 = arith.constant 0.000000e+00 : f32
        %parallel_loop3A_102 = vector.broadcast %parallel_loop3A_101 : f32 to vector<16xf32>
        %parallel_loop3A_103 = arith.subf %parallel_loop3A_102, %parallel_loop3A_100 : vector<16xf32>
        %parallel_loop3A_104 = arith.constant 16 : i32
        %parallel_loop3A_105 = arith.muli %parallel_loop3A_96, %parallel_loop3A_104 : i32
        %parallel_loop3A_106 = arith.index_cast %parallel_loop3A_105 : i32 to index
        %parallel_loop3A_107 = tpu.vector_load %arg10[%parallel_loop3A_106] {strides = array<i32>} : memref<13248xf32, #tpu.memory_space<vmem>>, vector<16xf32>,
        tpu.vector_store %arg10[%parallel_loop3A_106], %parallel_loop3A_103 {strides = array<i32>} : memref<13248xf32, #tpu.memory_space<vmem>>, vector<16xf32>,
      } {sc.loop_unroll_factor = 4 : i64, sc.parallel_access}
      "tpu.region"() ({
        %run_scoped3A = tpu.sem_alloc : memref<!tpu.dma_semaphore, #tpu.memory_space<semaphore_mem>>
        %dma_start3A_96 = arith.constant 0 : i32
        %dma_start3A_97 = tpu.memref_slice %arg10[%dma_start3A_96] : memref<13248xf32, #tpu.memory_space<vmem>> -> memref<12464xf32, #tpu.memory_space<vmem>>
        %dma_start3A_98 = tpu.memref_slice %arg7[%multiple_of3A_16] : memref<402816xf32, #tpu.memory_space<vmem_shared>> -> memref<12464xf32, #tpu.memory_space<vmem_shared>>
        %dma_start3A_99 = tpu.memref_slice %arg7[%multiple_of3A_16] : memref<402816xf32, #tpu.memory_space<vmem_shared>> -> memref<12464xf32, #tpu.memory_space<vmem_shared>>
        %dma_start3A_100 = arith.constant 0 : i32
        %dma_start3A_101 = tpu.memref_slice %arg10[%dma_start3A_100] : memref<13248xf32, #tpu.memory_space<vmem>> -> memref<12464xf32, #tpu.memory_space<vmem>>
        tpu.enqueue_dma source(%dma_start3A_101 : memref<12464xf32, #tpu.memory_space<vmem>>) target(%dma_start3A_99 : memref<12464xf32, #tpu.memory_space<vmem_shared>>) target_semaphore(%run_scoped3A : memref<!tpu.dma_semaphore, #tpu.memory_space<semaphore_mem>>)
        %dma_wait3A_102 = arith.constant 0 : i32
        %dma_wait3A_103 = tpu.memref_slice %arg10[%dma_wait3A_102] : memref<13248xf32, #tpu.memory_space<vmem>> -> memref<12464xf32, #tpu.memory_space<vmem>>
        %dma_wait3A_104 = tpu.memref_slice %arg7[%multiple_of3A_16] : memref<402816xf32, #tpu.memory_space<vmem_shared>> -> memref<12464xf32, #tpu.memory_space<vmem_shared>>
        %dma_wait3A_105 = tpu.memref_slice %arg7[%multiple_of3A_16] : memref<402816xf32, #tpu.memory_space<vmem_shared>> -> memref<12464xf32, #tpu.memory_space<vmem_shared>>
        %dma_wait3A_106 = arith.constant 0 : i32
        %dma_wait3A_107 = tpu.memref_slice %arg10[%dma_wait3A_106] : memref<13248xf32, #tpu.memory_space<vmem>> -> memref<12464xf32, #tpu.memory_space<vmem>>
        tpu.wait_dma2 semaphore(%run_scoped3A : memref<!tpu.dma_semaphore, #tpu.memory_space<semaphore_mem>>) src(%dma_wait3A_107 : memref<12464xf32, #tpu.memory_space<vmem>>) dst(%dma_wait3A_105 : memref<12464xf32, #tpu.memory_space<vmem_shared>>)
        tpu.yield
      }) : () -> ()
      %dma_wait3A_90 = arith.constant 0 : i32
      %dma_wait3A_91 = tpu.memref_slice %arg9[%dma_wait3A_90] : memref<13248xf32, #tpu.memory_space<vmem>> -> memref<12464xf32, #tpu.memory_space<vmem>>
      %dma_wait3A_92 = tpu.memref_slice %arg7[%add3A_81] : memref<402816xf32, #tpu.memory_space<vmem_shared>> -> memref<12464xf32, #tpu.memory_space<vmem_shared>>
      %dma_wait3A_93 = tpu.memref_slice %arg7[%add3A_81] : memref<402816xf32, #tpu.memory_space<vmem_shared>> -> memref<12464xf32, #tpu.memory_space<vmem_shared>>
      %dma_wait3A_94 = arith.constant 0 : i32
      %dma_wait3A_95 = tpu.memref_slice %arg9[%dma_wait3A_94] : memref<13248xf32, #tpu.memory_space<vmem>> -> memref<12464xf32, #tpu.memory_space<vmem>>
      tpu.wait_dma2 semaphore(%arg15 : memref<!tpu.dma_semaphore, #tpu.memory_space<semaphore_mem>>) src(%dma_wait3A_95 : memref<12464xf32, #tpu.memory_space<vmem>>) dst(%dma_wait3A_93 : memref<12464xf32, #tpu.memory_space<vmem_shared>>)
    } else {
    }
    %eq3A_45 = arith.constant 15 : i32
    %eq3A_46 = arith.cmpi eq, %arg1, %eq3A_45 : i32
    %convert_element_type3A_47 = arith.extui %eq3A_46 : i1 to i32
    %cond3A_48 = arith.constant 0 : i32
    %cond3A_49 = arith.cmpi ne, %convert_element_type3A_47, %cond3A_48 : i32
    scf.if %cond3A_49 {
      %dma_wait3A = arith.constant 0 : i32
      %dma_wait3A_75 = tpu.memref_slice %arg9[%dma_wait3A] : memref<13248xf32, #tpu.memory_space<vmem>> -> memref<12390xf32, #tpu.memory_space<vmem>>
      %dma_wait3A_76 = tpu.memref_slice %arg2[%multiple_of3A_16] : memref<199350xf32, #tpu.memory_space<hbm>> -> memref<12390xf32, #tpu.memory_space<hbm>>
      %dma_wait3A_77 = arith.constant 0 : i32
      %dma_wait3A_78 = tpu.memref_slice %arg9[%dma_wait3A_77] : memref<13248xf32, #tpu.memory_space<vmem>> -> memref<12390xf32, #tpu.memory_space<vmem>>
      %dma_wait3A_79 = tpu.memref_slice %arg2[%multiple_of3A_16] : memref<199350xf32, #tpu.memory_space<hbm>> -> memref<12390xf32, #tpu.memory_space<hbm>>
      tpu.wait_dma2 semaphore(%arg15 : memref<!tpu.dma_semaphore, #tpu.memory_space<semaphore_mem>>) src(%dma_wait3A_79 : memref<12390xf32, #tpu.memory_space<hbm>>) dst(%dma_wait3A_78 : memref<12390xf32, #tpu.memory_space<vmem>>)
      %add3A_80 = arith.constant 199360 : i32
      %add3A_81 = arith.addi %add3A_80, %multiple_of3A_16 : i32
      %dma_start3A = arith.constant 0 : i32
      %dma_start3A_82 = tpu.memref_slice %arg9[%dma_start3A] : memref<13248xf32, #tpu.memory_space<vmem>> -> memref<12390xf32, #tpu.memory_space<vmem>>
      %dma_start3A_83 = tpu.memref_slice %arg7[%add3A_81] : memref<402816xf32, #tpu.memory_space<vmem_shared>> -> memref<12390xf32, #tpu.memory_space<vmem_shared>>
      %dma_start3A_84 = tpu.memref_slice %arg7[%add3A_81] : memref<402816xf32, #tpu.memory_space<vmem_shared>> -> memref<12390xf32, #tpu.memory_space<vmem_shared>>
      %dma_start3A_85 = arith.constant 0 : i32
      %dma_start3A_86 = tpu.memref_slice %arg9[%dma_start3A_85] : memref<13248xf32, #tpu.memory_space<vmem>> -> memref<12390xf32, #tpu.memory_space<vmem>>
      tpu.enqueue_dma source(%dma_start3A_86 : memref<12390xf32, #tpu.memory_space<vmem>>) target(%dma_start3A_84 : memref<12390xf32, #tpu.memory_space<vmem_shared>>) target_semaphore(%arg15 : memref<!tpu.dma_semaphore, #tpu.memory_space<semaphore_mem>>)
      %parallel_loop3A_87 = arith.constant 0 : i32
      %parallel_loop3A_88 = arith.constant 775 : i32
      %parallel_loop3A_89 = arith.constant 1 : i32
      scf.for %parallel_loop3A_96 = %parallel_loop3A_87 to %parallel_loop3A_88 step %parallel_loop3A_89  : i32 {
        %parallel_loop3A_97 = arith.constant 16 : i32
        %parallel_loop3A_98 = arith.muli %parallel_loop3A_96, %parallel_loop3A_97 : i32
        %parallel_loop3A_99 = arith.index_cast %parallel_loop3A_98 : i32 to index
        %parallel_loop3A_100 = tpu.vector_load %arg9[%parallel_loop3A_99] {strides = array<i32>} : memref<13248xf32, #tpu.memory_space<vmem>>, vector<16xf32>,
        %parallel_loop3A_101 = arith.constant 0.000000e+00 : f32
        %parallel_loop3A_102 = vector.broadcast %parallel_loop3A_101 : f32 to vector<16xf32>
        %parallel_loop3A_103 = arith.subf %parallel_loop3A_102, %parallel_loop3A_100 : vector<16xf32>
        %parallel_loop3A_104 = arith.constant 16 : i32
        %parallel_loop3A_105 = arith.muli %parallel_loop3A_96, %parallel_loop3A_104 : i32
        %parallel_loop3A_106 = arith.index_cast %parallel_loop3A_105 : i32 to index
        %parallel_loop3A_107 = tpu.vector_load %arg10[%parallel_loop3A_106] {strides = array<i32>} : memref<13248xf32, #tpu.memory_space<vmem>>, vector<16xf32>,
        tpu.vector_store %arg10[%parallel_loop3A_106], %parallel_loop3A_103 {strides = array<i32>} : memref<13248xf32, #tpu.memory_space<vmem>>, vector<16xf32>,
      } {sc.loop_unroll_factor = 4 : i64, sc.parallel_access}
      "tpu.region"() ({
        %run_scoped3A = tpu.sem_alloc : memref<!tpu.dma_semaphore, #tpu.memory_space<semaphore_mem>>
        %dma_start3A_96 = arith.constant 0 : i32
        %dma_start3A_97 = tpu.memref_slice %arg10[%dma_start3A_96] : memref<13248xf32, #tpu.memory_space<vmem>> -> memref<12400xf32, #tpu.memory_space<vmem>>
        %dma_start3A_98 = tpu.memref_slice %arg7[%multiple_of3A_16] : memref<402816xf32, #tpu.memory_space<vmem_shared>> -> memref<12400xf32, #tpu.memory_space<vmem_shared>>
        %dma_start3A_99 = tpu.memref_slice %arg7[%multiple_of3A_16] : memref<402816xf32, #tpu.memory_space<vmem_shared>> -> memref<12400xf32, #tpu.memory_space<vmem_shared>>
        %dma_start3A_100 = arith.constant 0 : i32
        %dma_start3A_101 = tpu.memref_slice %arg10[%dma_start3A_100] : memref<13248xf32, #tpu.memory_space<vmem>> -> memref<12400xf32, #tpu.memory_space<vmem>>
        tpu.enqueue_dma source(%dma_start3A_101 : memref<12400xf32, #tpu.memory_space<vmem>>) target(%dma_start3A_99 : memref<12400xf32, #tpu.memory_space<vmem_shared>>) target_semaphore(%run_scoped3A : memref<!tpu.dma_semaphore, #tpu.memory_space<semaphore_mem>>)
        %dma_wait3A_102 = arith.constant 0 : i32
        %dma_wait3A_103 = tpu.memref_slice %arg10[%dma_wait3A_102] : memref<13248xf32, #tpu.memory_space<vmem>> -> memref<12400xf32, #tpu.memory_space<vmem>>
        %dma_wait3A_104 = tpu.memref_slice %arg7[%multiple_of3A_16] : memref<402816xf32, #tpu.memory_space<vmem_shared>> -> memref<12400xf32, #tpu.memory_space<vmem_shared>>
        %dma_wait3A_105 = tpu.memref_slice %arg7[%multiple_of3A_16] : memref<402816xf32, #tpu.memory_space<vmem_shared>> -> memref<12400xf32, #tpu.memory_space<vmem_shared>>
        %dma_wait3A_106 = arith.constant 0 : i32
        %dma_wait3A_107 = tpu.memref_slice %arg10[%dma_wait3A_106] : memref<13248xf32, #tpu.memory_space<vmem>> -> memref<12400xf32, #tpu.memory_space<vmem>>
        tpu.wait_dma2 semaphore(%run_scoped3A : memref<!tpu.dma_semaphore, #tpu.memory_space<semaphore_mem>>) src(%dma_wait3A_107 : memref<12400xf32, #tpu.memory_space<vmem>>) dst(%dma_wait3A_105 : memref<12400xf32, #tpu.memory_space<vmem_shared>>)
        tpu.yield
      }) : () -> ()
      %dma_wait3A_90 = arith.constant 0 : i32
      %dma_wait3A_91 = tpu.memref_slice %arg9[%dma_wait3A_90] : memref<13248xf32, #tpu.memory_space<vmem>> -> memref<12390xf32, #tpu.memory_space<vmem>>
      %dma_wait3A_92 = tpu.memref_slice %arg7[%add3A_81] : memref<402816xf32, #tpu.memory_space<vmem_shared>> -> memref<12390xf32, #tpu.memory_space<vmem_shared>>
      %dma_wait3A_93 = tpu.memref_slice %arg7[%add3A_81] : memref<402816xf32, #tpu.memory_space<vmem_shared>> -> memref<12390xf32, #tpu.memory_space<vmem_shared>>
      %dma_wait3A_94 = arith.constant 0 : i32
      %dma_wait3A_95 = tpu.memref_slice %arg9[%dma_wait3A_94] : memref<13248xf32, #tpu.memory_space<vmem>> -> memref<12390xf32, #tpu.memory_space<vmem>>
      tpu.wait_dma2 semaphore(%arg15 : memref<!tpu.dma_semaphore, #tpu.memory_space<semaphore_mem>>) src(%dma_wait3A_95 : memref<12390xf32, #tpu.memory_space<vmem>>) dst(%dma_wait3A_93 : memref<12390xf32, #tpu.memory_space<vmem_shared>>)
    } else {
    }
    %convert_element_type3A_50 = arith.extui %eq3A_0 : i1 to i32
    %cond3A_51 = arith.constant 0 : i32
    %cond3A_52 = arith.cmpi ne, %convert_element_type3A_50, %cond3A_51 : i32
    scf.if %cond3A_52 {
      %add3A_75 = arith.constant 0 : i32
      %add3A_76 = arith.addi %add3A_75, %multiple_of3A : i32
      %add3A_77 = arith.constant 100000 : i32
      %add3A_78 = arith.addi %add3A_77, %multiple_of3A : i32
      %add3A_79 = arith.constant 200000 : i32
      %add3A_80 = arith.addi %add3A_79, %multiple_of3A : i32
      %add3A_81 = arith.constant 300000 : i32
      %add3A_82 = arith.addi %add3A_81, %multiple_of3A : i32
      %dma_wait3A = arith.constant 0 : i32
      %dma_wait3A_83 = tpu.memref_slice %arg8[%dma_wait3A] : memref<13248xi32, #tpu.memory_space<vmem>> -> memref<3312xi32, #tpu.memory_space<vmem>>
      %dma_wait3A_84 = tpu.memref_slice %arg3[%add3A_76] : memref<400000xi32, #tpu.memory_space<hbm>> -> memref<3312xi32, #tpu.memory_space<hbm>>
      %dma_wait3A_85 = arith.constant 0 : i32
      %dma_wait3A_86 = tpu.memref_slice %arg8[%dma_wait3A_85] : memref<13248xi32, #tpu.memory_space<vmem>> -> memref<3312xi32, #tpu.memory_space<vmem>>
      %dma_wait3A_87 = tpu.memref_slice %arg3[%add3A_76] : memref<400000xi32, #tpu.memory_space<hbm>> -> memref<3312xi32, #tpu.memory_space<hbm>>
      tpu.wait_dma2 semaphore(%arg14 : memref<!tpu.dma_semaphore, #tpu.memory_space<semaphore_mem>>) src(%dma_wait3A_87 : memref<3312xi32, #tpu.memory_space<hbm>>) dst(%dma_wait3A_86 : memref<3312xi32, #tpu.memory_space<vmem>>)
      %dma_wait3A_88 = arith.constant 3312 : i32
      %dma_wait3A_89 = tpu.memref_slice %arg8[%dma_wait3A_88] : memref<13248xi32, #tpu.memory_space<vmem>> -> memref<3312xi32, #tpu.memory_space<vmem>>
      %dma_wait3A_90 = tpu.memref_slice %arg3[%add3A_78] : memref<400000xi32, #tpu.memory_space<hbm>> -> memref<3312xi32, #tpu.memory_space<hbm>>
      %dma_wait3A_91 = arith.constant 3312 : i32
      %dma_wait3A_92 = tpu.memref_slice %arg8[%dma_wait3A_91] : memref<13248xi32, #tpu.memory_space<vmem>> -> memref<3312xi32, #tpu.memory_space<vmem>>
      %dma_wait3A_93 = tpu.memref_slice %arg3[%add3A_78] : memref<400000xi32, #tpu.memory_space<hbm>> -> memref<3312xi32, #tpu.memory_space<hbm>>
      tpu.wait_dma2 semaphore(%arg14 : memref<!tpu.dma_semaphore, #tpu.memory_space<semaphore_mem>>) src(%dma_wait3A_93 : memref<3312xi32, #tpu.memory_space<hbm>>) dst(%dma_wait3A_92 : memref<3312xi32, #tpu.memory_space<vmem>>)
      %dma_wait3A_94 = arith.constant 6624 : i32
      %dma_wait3A_95 = tpu.memref_slice %arg8[%dma_wait3A_94] : memref<13248xi32, #tpu.memory_space<vmem>> -> memref<3312xi32, #tpu.memory_space<vmem>>
      %dma_wait3A_96 = tpu.memref_slice %arg3[%add3A_80] : memref<400000xi32, #tpu.memory_space<hbm>> -> memref<3312xi32, #tpu.memory_space<hbm>>
      %dma_wait3A_97 = arith.constant 6624 : i32
      %dma_wait3A_98 = tpu.memref_slice %arg8[%dma_wait3A_97] : memref<13248xi32, #tpu.memory_space<vmem>> -> memref<3312xi32, #tpu.memory_space<vmem>>
      %dma_wait3A_99 = tpu.memref_slice %arg3[%add3A_80] : memref<400000xi32, #tpu.memory_space<hbm>> -> memref<3312xi32, #tpu.memory_space<hbm>>
      tpu.wait_dma2 semaphore(%arg14 : memref<!tpu.dma_semaphore, #tpu.memory_space<semaphore_mem>>) src(%dma_wait3A_99 : memref<3312xi32, #tpu.memory_space<hbm>>) dst(%dma_wait3A_98 : memref<3312xi32, #tpu.memory_space<vmem>>)
      %dma_wait3A_100 = arith.constant 9936 : i32
      %dma_wait3A_101 = tpu.memref_slice %arg8[%dma_wait3A_100] : memref<13248xi32, #tpu.memory_space<vmem>> -> memref<3312xi32, #tpu.memory_space<vmem>>
      %dma_wait3A_102 = tpu.memref_slice %arg3[%add3A_82] : memref<400000xi32, #tpu.memory_space<hbm>> -> memref<3312xi32, #tpu.memory_space<hbm>>
      %dma_wait3A_103 = arith.constant 9936 : i32
      %dma_wait3A_104 = tpu.memref_slice %arg8[%dma_wait3A_103] : memref<13248xi32, #tpu.memory_space<vmem>> -> memref<3312xi32, #tpu.memory_space<vmem>>
      %dma_wait3A_105 = tpu.memref_slice %arg3[%add3A_82] : memref<400000xi32, #tpu.memory_space<hbm>> -> memref<3312xi32, #tpu.memory_space<hbm>>
      tpu.wait_dma2 semaphore(%arg14 : memref<!tpu.dma_semaphore, #tpu.memory_space<semaphore_mem>>) src(%dma_wait3A_105 : memref<3312xi32, #tpu.memory_space<hbm>>) dst(%dma_wait3A_104 : memref<3312xi32, #tpu.memory_space<vmem>>)
      %dma_wait3A_106 = arith.constant 0 : i32
      %dma_wait3A_107 = tpu.memref_slice %arg11[%dma_wait3A_106] : memref<3312xi32, #tpu.memory_space<vmem>> -> memref<3312xi32, #tpu.memory_space<vmem>>
      %dma_wait3A_108 = tpu.memref_slice %arg4[%multiple_of3A] : memref<100000xi32, #tpu.memory_space<hbm>> -> memref<3312xi32, #tpu.memory_space<hbm>>
      %dma_wait3A_109 = arith.constant 0 : i32
      %dma_wait3A_110 = tpu.memref_slice %arg11[%dma_wait3A_109] : memref<3312xi32, #tpu.memory_space<vmem>> -> memref<3312xi32, #tpu.memory_space<vmem>>
      %dma_wait3A_111 = tpu.memref_slice %arg4[%multiple_of3A] : memref<100000xi32, #tpu.memory_space<hbm>> -> memref<3312xi32, #tpu.memory_space<hbm>>
      tpu.wait_dma2 semaphore(%arg14 : memref<!tpu.dma_semaphore, #tpu.memory_space<semaphore_mem>>) src(%dma_wait3A_111 : memref<3312xi32, #tpu.memory_space<hbm>>) dst(%dma_wait3A_110 : memref<3312xi32, #tpu.memory_space<vmem>>)
      %dma_wait3A_112 = arith.constant 0 : i32
      %dma_wait3A_113 = tpu.memref_slice %arg12[%dma_wait3A_112] : memref<3312xf32, #tpu.memory_space<vmem>> -> memref<3312xf32, #tpu.memory_space<vmem>>
      %dma_wait3A_114 = tpu.memref_slice %arg5[%multiple_of3A] : memref<100000xf32, #tpu.memory_space<hbm>> -> memref<3312xf32, #tpu.memory_space<hbm>>
      %dma_wait3A_115 = arith.constant 0 : i32
      %dma_wait3A_116 = tpu.memref_slice %arg12[%dma_wait3A_115] : memref<3312xf32, #tpu.memory_space<vmem>> -> memref<3312xf32, #tpu.memory_space<vmem>>
      %dma_wait3A_117 = tpu.memref_slice %arg5[%multiple_of3A] : memref<100000xf32, #tpu.memory_space<hbm>> -> memref<3312xf32, #tpu.memory_space<hbm>>
      tpu.wait_dma2 semaphore(%arg14 : memref<!tpu.dma_semaphore, #tpu.memory_space<semaphore_mem>>) src(%dma_wait3A_117 : memref<3312xf32, #tpu.memory_space<hbm>>) dst(%dma_wait3A_116 : memref<3312xf32, #tpu.memory_space<vmem>>)
    } else {
    }
    %convert_element_type3A_53 = arith.extui %and3A_8 : i1 to i32
    %cond3A_54 = arith.constant 0 : i32
    %cond3A_55 = arith.cmpi ne, %convert_element_type3A_53, %cond3A_54 : i32
    scf.if %cond3A_55 {
      %add3A_75 = arith.constant 0 : i32
      %add3A_76 = arith.addi %add3A_75, %multiple_of3A_13 : i32
      %add3A_77 = arith.constant 100000 : i32
      %add3A_78 = arith.addi %add3A_77, %multiple_of3A_13 : i32
      %add3A_79 = arith.constant 200000 : i32
      %add3A_80 = arith.addi %add3A_79, %multiple_of3A_13 : i32
      %add3A_81 = arith.constant 300000 : i32
      %add3A_82 = arith.addi %add3A_81, %multiple_of3A_13 : i32
      %dma_wait3A = arith.constant 0 : i32
      %dma_wait3A_83 = tpu.memref_slice %arg8[%dma_wait3A] : memref<13248xi32, #tpu.memory_space<vmem>> -> memref<2944xi32, #tpu.memory_space<vmem>>
      %dma_wait3A_84 = tpu.memref_slice %arg3[%add3A_76] : memref<400000xi32, #tpu.memory_space<hbm>> -> memref<2944xi32, #tpu.memory_space<hbm>>
      %dma_wait3A_85 = arith.constant 0 : i32
      %dma_wait3A_86 = tpu.memref_slice %arg8[%dma_wait3A_85] : memref<13248xi32, #tpu.memory_space<vmem>> -> memref<2944xi32, #tpu.memory_space<vmem>>
      %dma_wait3A_87 = tpu.memref_slice %arg3[%add3A_76] : memref<400000xi32, #tpu.memory_space<hbm>> -> memref<2944xi32, #tpu.memory_space<hbm>>
      tpu.wait_dma2 semaphore(%arg14 : memref<!tpu.dma_semaphore, #tpu.memory_space<semaphore_mem>>) src(%dma_wait3A_87 : memref<2944xi32, #tpu.memory_space<hbm>>) dst(%dma_wait3A_86 : memref<2944xi32, #tpu.memory_space<vmem>>)
      %dma_wait3A_88 = arith.constant 2944 : i32
      %dma_wait3A_89 = tpu.memref_slice %arg8[%dma_wait3A_88] : memref<13248xi32, #tpu.memory_space<vmem>> -> memref<2944xi32, #tpu.memory_space<vmem>>
      %dma_wait3A_90 = tpu.memref_slice %arg3[%add3A_78] : memref<400000xi32, #tpu.memory_space<hbm>> -> memref<2944xi32, #tpu.memory_space<hbm>>
      %dma_wait3A_91 = arith.constant 2944 : i32
      %dma_wait3A_92 = tpu.memref_slice %arg8[%dma_wait3A_91] : memref<13248xi32, #tpu.memory_space<vmem>> -> memref<2944xi32, #tpu.memory_space<vmem>>
      %dma_wait3A_93 = tpu.memref_slice %arg3[%add3A_78] : memref<400000xi32, #tpu.memory_space<hbm>> -> memref<2944xi32, #tpu.memory_space<hbm>>
      tpu.wait_dma2 semaphore(%arg14 : memref<!tpu.dma_semaphore, #tpu.memory_space<semaphore_mem>>) src(%dma_wait3A_93 : memref<2944xi32, #tpu.memory_space<hbm>>) dst(%dma_wait3A_92 : memref<2944xi32, #tpu.memory_space<vmem>>)
      %dma_wait3A_94 = arith.constant 5888 : i32
      %dma_wait3A_95 = tpu.memref_slice %arg8[%dma_wait3A_94] : memref<13248xi32, #tpu.memory_space<vmem>> -> memref<2944xi32, #tpu.memory_space<vmem>>
      %dma_wait3A_96 = tpu.memref_slice %arg3[%add3A_80] : memref<400000xi32, #tpu.memory_space<hbm>> -> memref<2944xi32, #tpu.memory_space<hbm>>
      %dma_wait3A_97 = arith.constant 5888 : i32
      %dma_wait3A_98 = tpu.memref_slice %arg8[%dma_wait3A_97] : memref<13248xi32, #tpu.memory_space<vmem>> -> memref<2944xi32, #tpu.memory_space<vmem>>
      %dma_wait3A_99 = tpu.memref_slice %arg3[%add3A_80] : memref<400000xi32, #tpu.memory_space<hbm>> -> memref<2944xi32, #tpu.memory_space<hbm>>
      tpu.wait_dma2 semaphore(%arg14 : memref<!tpu.dma_semaphore, #tpu.memory_space<semaphore_mem>>) src(%dma_wait3A_99 : memref<2944xi32, #tpu.memory_space<hbm>>) dst(%dma_wait3A_98 : memref<2944xi32, #tpu.memory_space<vmem>>)
      %dma_wait3A_100 = arith.constant 8832 : i32
      %dma_wait3A_101 = tpu.memref_slice %arg8[%dma_wait3A_100] : memref<13248xi32, #tpu.memory_space<vmem>> -> memref<2944xi32, #tpu.memory_space<vmem>>
      %dma_wait3A_102 = tpu.memref_slice %arg3[%add3A_82] : memref<400000xi32, #tpu.memory_space<hbm>> -> memref<2944xi32, #tpu.memory_space<hbm>>
      %dma_wait3A_103 = arith.constant 8832 : i32
      %dma_wait3A_104 = tpu.memref_slice %arg8[%dma_wait3A_103] : memref<13248xi32, #tpu.memory_space<vmem>> -> memref<2944xi32, #tpu.memory_space<vmem>>
      %dma_wait3A_105 = tpu.memref_slice %arg3[%add3A_82] : memref<400000xi32, #tpu.memory_space<hbm>> -> memref<2944xi32, #tpu.memory_space<hbm>>
      tpu.wait_dma2 semaphore(%arg14 : memref<!tpu.dma_semaphore, #tpu.memory_space<semaphore_mem>>) src(%dma_wait3A_105 : memref<2944xi32, #tpu.memory_space<hbm>>) dst(%dma_wait3A_104 : memref<2944xi32, #tpu.memory_space<vmem>>)
      %dma_wait3A_106 = arith.constant 0 : i32
      %dma_wait3A_107 = tpu.memref_slice %arg11[%dma_wait3A_106] : memref<3312xi32, #tpu.memory_space<vmem>> -> memref<2944xi32, #tpu.memory_space<vmem>>
      %dma_wait3A_108 = tpu.memref_slice %arg4[%multiple_of3A_13] : memref<100000xi32, #tpu.memory_space<hbm>> -> memref<2944xi32, #tpu.memory_space<hbm>>
      %dma_wait3A_109 = arith.constant 0 : i32
      %dma_wait3A_110 = tpu.memref_slice %arg11[%dma_wait3A_109] : memref<3312xi32, #tpu.memory_space<vmem>> -> memref<2944xi32, #tpu.memory_space<vmem>>
      %dma_wait3A_111 = tpu.memref_slice %arg4[%multiple_of3A_13] : memref<100000xi32, #tpu.memory_space<hbm>> -> memref<2944xi32, #tpu.memory_space<hbm>>
      tpu.wait_dma2 semaphore(%arg14 : memref<!tpu.dma_semaphore, #tpu.memory_space<semaphore_mem>>) src(%dma_wait3A_111 : memref<2944xi32, #tpu.memory_space<hbm>>) dst(%dma_wait3A_110 : memref<2944xi32, #tpu.memory_space<vmem>>)
      %dma_wait3A_112 = arith.constant 0 : i32
      %dma_wait3A_113 = tpu.memref_slice %arg12[%dma_wait3A_112] : memref<3312xf32, #tpu.memory_space<vmem>> -> memref<2944xf32, #tpu.memory_space<vmem>>
      %dma_wait3A_114 = tpu.memref_slice %arg5[%multiple_of3A_13] : memref<100000xf32, #tpu.memory_space<hbm>> -> memref<2944xf32, #tpu.memory_space<hbm>>
      %dma_wait3A_115 = arith.constant 0 : i32
      %dma_wait3A_116 = tpu.memref_slice %arg12[%dma_wait3A_115] : memref<3312xf32, #tpu.memory_space<vmem>> -> memref<2944xf32, #tpu.memory_space<vmem>>
      %dma_wait3A_117 = tpu.memref_slice %arg5[%multiple_of3A_13] : memref<100000xf32, #tpu.memory_space<hbm>> -> memref<2944xf32, #tpu.memory_space<hbm>>
      tpu.wait_dma2 semaphore(%arg14 : memref<!tpu.dma_semaphore, #tpu.memory_space<semaphore_mem>>) src(%dma_wait3A_117 : memref<2944xf32, #tpu.memory_space<hbm>>) dst(%dma_wait3A_116 : memref<2944xf32, #tpu.memory_space<vmem>>)
    } else {
    }
    %convert_element_type3A_56 = arith.extui %and3A : i1 to i32
    %cond3A_57 = arith.constant 0 : i32
    %cond3A_58 = arith.cmpi ne, %convert_element_type3A_56, %cond3A_57 : i32
    scf.if %cond3A_58 {
      %add3A_75 = arith.constant 0 : i32
      %add3A_76 = arith.addi %add3A_75, %multiple_of3A_13 : i32
      %add3A_77 = arith.constant 100000 : i32
      %add3A_78 = arith.addi %add3A_77, %multiple_of3A_13 : i32
      %add3A_79 = arith.constant 200000 : i32
      %add3A_80 = arith.addi %add3A_79, %multiple_of3A_13 : i32
      %add3A_81 = arith.constant 300000 : i32
      %add3A_82 = arith.addi %add3A_81, %multiple_of3A_13 : i32
      %dma_wait3A = arith.constant 0 : i32
      %dma_wait3A_83 = tpu.memref_slice %arg8[%dma_wait3A] : memref<13248xi32, #tpu.memory_space<vmem>> -> memref<2848xi32, #tpu.memory_space<vmem>>
      %dma_wait3A_84 = tpu.memref_slice %arg3[%add3A_76] : memref<400000xi32, #tpu.memory_space<hbm>> -> memref<2848xi32, #tpu.memory_space<hbm>>
      %dma_wait3A_85 = arith.constant 0 : i32
      %dma_wait3A_86 = tpu.memref_slice %arg8[%dma_wait3A_85] : memref<13248xi32, #tpu.memory_space<vmem>> -> memref<2848xi32, #tpu.memory_space<vmem>>
      %dma_wait3A_87 = tpu.memref_slice %arg3[%add3A_76] : memref<400000xi32, #tpu.memory_space<hbm>> -> memref<2848xi32, #tpu.memory_space<hbm>>
      tpu.wait_dma2 semaphore(%arg14 : memref<!tpu.dma_semaphore, #tpu.memory_space<semaphore_mem>>) src(%dma_wait3A_87 : memref<2848xi32, #tpu.memory_space<hbm>>) dst(%dma_wait3A_86 : memref<2848xi32, #tpu.memory_space<vmem>>)
      %dma_wait3A_88 = arith.constant 2944 : i32
      %dma_wait3A_89 = tpu.memref_slice %arg8[%dma_wait3A_88] : memref<13248xi32, #tpu.memory_space<vmem>> -> memref<2848xi32, #tpu.memory_space<vmem>>
      %dma_wait3A_90 = tpu.memref_slice %arg3[%add3A_78] : memref<400000xi32, #tpu.memory_space<hbm>> -> memref<2848xi32, #tpu.memory_space<hbm>>
      %dma_wait3A_91 = arith.constant 2944 : i32
      %dma_wait3A_92 = tpu.memref_slice %arg8[%dma_wait3A_91] : memref<13248xi32, #tpu.memory_space<vmem>> -> memref<2848xi32, #tpu.memory_space<vmem>>
      %dma_wait3A_93 = tpu.memref_slice %arg3[%add3A_78] : memref<400000xi32, #tpu.memory_space<hbm>> -> memref<2848xi32, #tpu.memory_space<hbm>>
      tpu.wait_dma2 semaphore(%arg14 : memref<!tpu.dma_semaphore, #tpu.memory_space<semaphore_mem>>) src(%dma_wait3A_93 : memref<2848xi32, #tpu.memory_space<hbm>>) dst(%dma_wait3A_92 : memref<2848xi32, #tpu.memory_space<vmem>>)
      %dma_wait3A_94 = arith.constant 5888 : i32
      %dma_wait3A_95 = tpu.memref_slice %arg8[%dma_wait3A_94] : memref<13248xi32, #tpu.memory_space<vmem>> -> memref<2848xi32, #tpu.memory_space<vmem>>
      %dma_wait3A_96 = tpu.memref_slice %arg3[%add3A_80] : memref<400000xi32, #tpu.memory_space<hbm>> -> memref<2848xi32, #tpu.memory_space<hbm>>
      %dma_wait3A_97 = arith.constant 5888 : i32
      %dma_wait3A_98 = tpu.memref_slice %arg8[%dma_wait3A_97] : memref<13248xi32, #tpu.memory_space<vmem>> -> memref<2848xi32, #tpu.memory_space<vmem>>
      %dma_wait3A_99 = tpu.memref_slice %arg3[%add3A_80] : memref<400000xi32, #tpu.memory_space<hbm>> -> memref<2848xi32, #tpu.memory_space<hbm>>
      tpu.wait_dma2 semaphore(%arg14 : memref<!tpu.dma_semaphore, #tpu.memory_space<semaphore_mem>>) src(%dma_wait3A_99 : memref<2848xi32, #tpu.memory_space<hbm>>) dst(%dma_wait3A_98 : memref<2848xi32, #tpu.memory_space<vmem>>)
      %dma_wait3A_100 = arith.constant 8832 : i32
      %dma_wait3A_101 = tpu.memref_slice %arg8[%dma_wait3A_100] : memref<13248xi32, #tpu.memory_space<vmem>> -> memref<2848xi32, #tpu.memory_space<vmem>>
      %dma_wait3A_102 = tpu.memref_slice %arg3[%add3A_82] : memref<400000xi32, #tpu.memory_space<hbm>> -> memref<2848xi32, #tpu.memory_space<hbm>>
      %dma_wait3A_103 = arith.constant 8832 : i32
      %dma_wait3A_104 = tpu.memref_slice %arg8[%dma_wait3A_103] : memref<13248xi32, #tpu.memory_space<vmem>> -> memref<2848xi32, #tpu.memory_space<vmem>>
      %dma_wait3A_105 = tpu.memref_slice %arg3[%add3A_82] : memref<400000xi32, #tpu.memory_space<hbm>> -> memref<2848xi32, #tpu.memory_space<hbm>>
      tpu.wait_dma2 semaphore(%arg14 : memref<!tpu.dma_semaphore, #tpu.memory_space<semaphore_mem>>) src(%dma_wait3A_105 : memref<2848xi32, #tpu.memory_space<hbm>>) dst(%dma_wait3A_104 : memref<2848xi32, #tpu.memory_space<vmem>>)
      %dma_wait3A_106 = arith.constant 0 : i32
      %dma_wait3A_107 = tpu.memref_slice %arg11[%dma_wait3A_106] : memref<3312xi32, #tpu.memory_space<vmem>> -> memref<2848xi32, #tpu.memory_space<vmem>>
      %dma_wait3A_108 = tpu.memref_slice %arg4[%multiple_of3A_13] : memref<100000xi32, #tpu.memory_space<hbm>> -> memref<2848xi32, #tpu.memory_space<hbm>>
      %dma_wait3A_109 = arith.constant 0 : i32
      %dma_wait3A_110 = tpu.memref_slice %arg11[%dma_wait3A_109] : memref<3312xi32, #tpu.memory_space<vmem>> -> memref<2848xi32, #tpu.memory_space<vmem>>
      %dma_wait3A_111 = tpu.memref_slice %arg4[%multiple_of3A_13] : memref<100000xi32, #tpu.memory_space<hbm>> -> memref<2848xi32, #tpu.memory_space<hbm>>
      tpu.wait_dma2 semaphore(%arg14 : memref<!tpu.dma_semaphore, #tpu.memory_space<semaphore_mem>>) src(%dma_wait3A_111 : memref<2848xi32, #tpu.memory_space<hbm>>) dst(%dma_wait3A_110 : memref<2848xi32, #tpu.memory_space<vmem>>)
      %dma_wait3A_112 = arith.constant 0 : i32
      %dma_wait3A_113 = tpu.memref_slice %arg12[%dma_wait3A_112] : memref<3312xf32, #tpu.memory_space<vmem>> -> memref<2848xf32, #tpu.memory_space<vmem>>
      %dma_wait3A_114 = tpu.memref_slice %arg5[%multiple_of3A_13] : memref<100000xf32, #tpu.memory_space<hbm>> -> memref<2848xf32, #tpu.memory_space<hbm>>
      %dma_wait3A_115 = arith.constant 0 : i32
      %dma_wait3A_116 = tpu.memref_slice %arg12[%dma_wait3A_115] : memref<3312xf32, #tpu.memory_space<vmem>> -> memref<2848xf32, #tpu.memory_space<vmem>>
      %dma_wait3A_117 = tpu.memref_slice %arg5[%multiple_of3A_13] : memref<100000xf32, #tpu.memory_space<hbm>> -> memref<2848xf32, #tpu.memory_space<hbm>>
      tpu.wait_dma2 semaphore(%arg14 : memref<!tpu.dma_semaphore, #tpu.memory_space<semaphore_mem>>) src(%dma_wait3A_117 : memref<2848xf32, #tpu.memory_space<hbm>>) dst(%dma_wait3A_116 : memref<2848xf32, #tpu.memory_space<vmem>>)
    } else {
    }
    %barrier3A = arith.constant 0 : index
    tpu.barrier barrier_id(%barrier3A)
    %convert_element_type3A_59 = arith.extui %eq3A_0 : i1 to i32
    %cond3A_60 = arith.constant 0 : i32
    %cond3A_61 = arith.cmpi ne, %convert_element_type3A_59, %cond3A_60 : i32
    scf.if %cond3A_61 {
      %dma_start3A = arith.constant 0 : i32
      %dma_start3A_75 = tpu.memref_slice %arg9[%dma_start3A] : memref<13248xf32, #tpu.memory_space<vmem>> -> memref<13248xf32, #tpu.memory_space<vmem>>
      %dma_start3A_76 = arith.constant 0 : i32
      %dma_start3A_77 = tpu.memref_slice %arg8[%dma_start3A_76] : memref<13248xi32, #tpu.memory_space<vmem>> -> memref<13248xi32, #tpu.memory_space<vmem>>
      %dma_start3A_78 = arith.constant 0 : i32
      %dma_start3A_79 = tpu.memref_slice %arg7[%dma_start3A_78] : memref<402816xf32, #tpu.memory_space<vmem_shared>> -> memref<402816xf32, #tpu.memory_space<vmem_shared>>
      tpu.enqueue_indirect_dma source(%dma_start3A_79 : memref<402816xf32, #tpu.memory_space<vmem_shared>>) target(%dma_start3A_75 : memref<13248xf32, #tpu.memory_space<vmem>>) offsets(%dma_start3A_77 : memref<13248xi32, #tpu.memory_space<vmem>>) semaphore(%arg14 : memref<!tpu.dma_semaphore, #tpu.memory_space<semaphore_mem>>)
      %dma_wait3A = arith.constant 0 : i32
      %dma_wait3A_80 = tpu.memref_slice %arg9[%dma_wait3A] : memref<13248xf32, #tpu.memory_space<vmem>> -> memref<13248xf32, #tpu.memory_space<vmem>>
      %dma_wait3A_81 = arith.constant 0 : i32
      %dma_wait3A_82 = tpu.memref_slice %arg8[%dma_wait3A_81] : memref<13248xi32, #tpu.memory_space<vmem>> -> memref<13248xi32, #tpu.memory_space<vmem>>
      %dma_wait3A_83 = arith.constant 0 : i32
      %dma_wait3A_84 = tpu.memref_slice %arg7[%dma_wait3A_83] : memref<402816xf32, #tpu.memory_space<vmem_shared>> -> memref<402816xf32, #tpu.memory_space<vmem_shared>>
      tpu.wait_indirect_dma semaphore(%arg14 : memref<!tpu.dma_semaphore, #tpu.memory_space<semaphore_mem>>) src(%dma_wait3A_84 : memref<402816xf32, #tpu.memory_space<vmem_shared>>) dst(%dma_wait3A_80 : memref<13248xf32, #tpu.memory_space<vmem>>)
      %parallel_loop3A_85 = arith.constant 0 : i32
      %parallel_loop3A_86 = arith.constant 207 : i32
      %parallel_loop3A_87 = arith.constant 1 : i32
      scf.for %parallel_loop3A_88 = %parallel_loop3A_85 to %parallel_loop3A_86 step %parallel_loop3A_87  : i32 {
        %parallel_loop3A_89 = arith.constant 16 : i32
        %parallel_loop3A_90 = arith.muli %parallel_loop3A_88, %parallel_loop3A_89 : i32
        %parallel_loop3A_91 = arith.index_cast %parallel_loop3A_90 : i32 to index
        %parallel_loop3A_92 = tpu.vector_load %arg9[%parallel_loop3A_91] {strides = array<i32>} : memref<13248xf32, #tpu.memory_space<vmem>>, vector<16xf32>,
        %parallel_loop3A_93 = arith.constant 3312 : i32
        %parallel_loop3A_94 = arith.addi %parallel_loop3A_93, %parallel_loop3A_90 : i32
        %parallel_loop3A_95 = arith.index_cast %parallel_loop3A_94 : i32 to index
        %parallel_loop3A_96 = tpu.vector_load %arg9[%parallel_loop3A_95] {strides = array<i32>} : memref<13248xf32, #tpu.memory_space<vmem>>, vector<16xf32>,
        %parallel_loop3A_97 = arith.addf %parallel_loop3A_92, %parallel_loop3A_96 : vector<16xf32>
        %parallel_loop3A_98 = arith.constant 6624 : i32
        %parallel_loop3A_99 = arith.addi %parallel_loop3A_98, %parallel_loop3A_90 : i32
        %parallel_loop3A_100 = arith.index_cast %parallel_loop3A_99 : i32 to index
        %parallel_loop3A_101 = tpu.vector_load %arg9[%parallel_loop3A_100] {strides = array<i32>} : memref<13248xf32, #tpu.memory_space<vmem>>, vector<16xf32>,
        %parallel_loop3A_102 = arith.addf %parallel_loop3A_97, %parallel_loop3A_101 : vector<16xf32>
        %parallel_loop3A_103 = arith.constant 9936 : i32
        %parallel_loop3A_104 = arith.addi %parallel_loop3A_103, %parallel_loop3A_90 : i32
        %parallel_loop3A_105 = arith.index_cast %parallel_loop3A_104 : i32 to index
        %parallel_loop3A_106 = tpu.vector_load %arg9[%parallel_loop3A_105] {strides = array<i32>} : memref<13248xf32, #tpu.memory_space<vmem>>, vector<16xf32>,
        %parallel_loop3A_107 = arith.addf %parallel_loop3A_102, %parallel_loop3A_106 : vector<16xf32>
        %parallel_loop3A_108 = arith.index_cast %parallel_loop3A_90 : i32 to index
        %parallel_loop3A_109 = tpu.vector_load %arg11[%parallel_loop3A_108] {strides = array<i32>} : memref<3312xi32, #tpu.memory_space<vmem>>, vector<16xi32>,
        %parallel_loop3A_110 = arith.index_cast %parallel_loop3A_90 : i32 to index
        %parallel_loop3A_111 = tpu.vector_load %arg12[%parallel_loop3A_110] {strides = array<i32>} : memref<3312xf32, #tpu.memory_space<vmem>>, vector<16xf32>,
        %parallel_loop3A_112 = arith.constant 0 : i32
        %parallel_loop3A_113 = vector.broadcast %parallel_loop3A_112 : i32 to vector<16xi32>
        %parallel_loop3A_114 = arith.cmpi eq, %parallel_loop3A_109, %parallel_loop3A_113 : vector<16xi32>
        %parallel_loop3A_115 = arith.divf %parallel_loop3A_107, %parallel_loop3A_111 : vector<16xf32>
        %parallel_loop3A_116 = arith.constant 0.000000e+00 : f32
        %parallel_loop3A_117 = vector.broadcast %parallel_loop3A_116 : f32 to vector<16xf32>
        %parallel_loop3A_118 = arith.select %parallel_loop3A_114, %parallel_loop3A_115, %parallel_loop3A_117 : vector<16xi1>, vector<16xf32>
        %parallel_loop3A_119 = arith.index_cast %parallel_loop3A_90 : i32 to index
        %parallel_loop3A_120 = tpu.vector_load %arg13[%parallel_loop3A_119] {strides = array<i32>} : memref<3312xf32, #tpu.memory_space<vmem>>, vector<16xf32>,
        tpu.vector_store %arg13[%parallel_loop3A_119], %parallel_loop3A_118 {strides = array<i32>} : memref<3312xf32, #tpu.memory_space<vmem>>, vector<16xf32>,
      } {sc.loop_unroll_factor = 4 : i64, sc.parallel_access}
    } else {
    }
    %not3A = arith.constant true
    %not3A_62 = arith.xori %eq3A_0, %not3A : i1
    %convert_element_type3A_63 = arith.extui %not3A_62 : i1 to i32
    %cond3A_64 = arith.constant 0 : i32
    %cond3A_65 = arith.cmpi ne, %convert_element_type3A_63, %cond3A_64 : i32
    scf.if %cond3A_65 {
      %dma_start3A = arith.constant 0 : i32
      %dma_start3A_75 = tpu.memref_slice %arg9[%dma_start3A] : memref<13248xf32, #tpu.memory_space<vmem>> -> memref<11776xf32, #tpu.memory_space<vmem>>
      %dma_start3A_76 = arith.constant 0 : i32
      %dma_start3A_77 = tpu.memref_slice %arg8[%dma_start3A_76] : memref<13248xi32, #tpu.memory_space<vmem>> -> memref<11776xi32, #tpu.memory_space<vmem>>
      %dma_start3A_78 = arith.constant 0 : i32
      %dma_start3A_79 = tpu.memref_slice %arg7[%dma_start3A_78] : memref<402816xf32, #tpu.memory_space<vmem_shared>> -> memref<402816xf32, #tpu.memory_space<vmem_shared>>
      tpu.enqueue_indirect_dma source(%dma_start3A_79 : memref<402816xf32, #tpu.memory_space<vmem_shared>>) target(%dma_start3A_75 : memref<11776xf32, #tpu.memory_space<vmem>>) offsets(%dma_start3A_77 : memref<11776xi32, #tpu.memory_space<vmem>>) semaphore(%arg14 : memref<!tpu.dma_semaphore, #tpu.memory_space<semaphore_mem>>)
      %dma_wait3A = arith.constant 0 : i32
      %dma_wait3A_80 = tpu.memref_slice %arg9[%dma_wait3A] : memref<13248xf32, #tpu.memory_space<vmem>> -> memref<11776xf32, #tpu.memory_space<vmem>>
      %dma_wait3A_81 = arith.constant 0 : i32
      %dma_wait3A_82 = tpu.memref_slice %arg8[%dma_wait3A_81] : memref<13248xi32, #tpu.memory_space<vmem>> -> memref<11776xi32, #tpu.memory_space<vmem>>
      %dma_wait3A_83 = arith.constant 0 : i32
      %dma_wait3A_84 = tpu.memref_slice %arg7[%dma_wait3A_83] : memref<402816xf32, #tpu.memory_space<vmem_shared>> -> memref<402816xf32, #tpu.memory_space<vmem_shared>>
      tpu.wait_indirect_dma semaphore(%arg14 : memref<!tpu.dma_semaphore, #tpu.memory_space<semaphore_mem>>) src(%dma_wait3A_84 : memref<402816xf32, #tpu.memory_space<vmem_shared>>) dst(%dma_wait3A_80 : memref<11776xf32, #tpu.memory_space<vmem>>)
      %parallel_loop3A_85 = arith.constant 0 : i32
      %parallel_loop3A_86 = arith.constant 184 : i32
      %parallel_loop3A_87 = arith.constant 1 : i32
      scf.for %parallel_loop3A_88 = %parallel_loop3A_85 to %parallel_loop3A_86 step %parallel_loop3A_87  : i32 {
        %parallel_loop3A_89 = arith.constant 16 : i32
        %parallel_loop3A_90 = arith.muli %parallel_loop3A_88, %parallel_loop3A_89 : i32
        %parallel_loop3A_91 = arith.index_cast %parallel_loop3A_90 : i32 to index
        %parallel_loop3A_92 = tpu.vector_load %arg9[%parallel_loop3A_91] {strides = array<i32>} : memref<13248xf32, #tpu.memory_space<vmem>>, vector<16xf32>,
        %parallel_loop3A_93 = arith.constant 2944 : i32
        %parallel_loop3A_94 = arith.addi %parallel_loop3A_93, %parallel_loop3A_90 : i32
        %parallel_loop3A_95 = arith.index_cast %parallel_loop3A_94 : i32 to index
        %parallel_loop3A_96 = tpu.vector_load %arg9[%parallel_loop3A_95] {strides = array<i32>} : memref<13248xf32, #tpu.memory_space<vmem>>, vector<16xf32>,
        %parallel_loop3A_97 = arith.addf %parallel_loop3A_92, %parallel_loop3A_96 : vector<16xf32>
        %parallel_loop3A_98 = arith.constant 5888 : i32
        %parallel_loop3A_99 = arith.addi %parallel_loop3A_98, %parallel_loop3A_90 : i32
        %parallel_loop3A_100 = arith.index_cast %parallel_loop3A_99 : i32 to index
        %parallel_loop3A_101 = tpu.vector_load %arg9[%parallel_loop3A_100] {strides = array<i32>} : memref<13248xf32, #tpu.memory_space<vmem>>, vector<16xf32>,
        %parallel_loop3A_102 = arith.addf %parallel_loop3A_97, %parallel_loop3A_101 : vector<16xf32>
        %parallel_loop3A_103 = arith.constant 8832 : i32
        %parallel_loop3A_104 = arith.addi %parallel_loop3A_103, %parallel_loop3A_90 : i32
        %parallel_loop3A_105 = arith.index_cast %parallel_loop3A_104 : i32 to index
        %parallel_loop3A_106 = tpu.vector_load %arg9[%parallel_loop3A_105] {strides = array<i32>} : memref<13248xf32, #tpu.memory_space<vmem>>, vector<16xf32>,
        %parallel_loop3A_107 = arith.addf %parallel_loop3A_102, %parallel_loop3A_106 : vector<16xf32>
        %parallel_loop3A_108 = arith.index_cast %parallel_loop3A_90 : i32 to index
        %parallel_loop3A_109 = tpu.vector_load %arg11[%parallel_loop3A_108] {strides = array<i32>} : memref<3312xi32, #tpu.memory_space<vmem>>, vector<16xi32>,
        %parallel_loop3A_110 = arith.index_cast %parallel_loop3A_90 : i32 to index
        %parallel_loop3A_111 = tpu.vector_load %arg12[%parallel_loop3A_110] {strides = array<i32>} : memref<3312xf32, #tpu.memory_space<vmem>>, vector<16xf32>,
        %parallel_loop3A_112 = arith.constant 0 : i32
        %parallel_loop3A_113 = vector.broadcast %parallel_loop3A_112 : i32 to vector<16xi32>
        %parallel_loop3A_114 = arith.cmpi eq, %parallel_loop3A_109, %parallel_loop3A_113 : vector<16xi32>
        %parallel_loop3A_115 = arith.divf %parallel_loop3A_107, %parallel_loop3A_111 : vector<16xf32>
        %parallel_loop3A_116 = arith.constant 0.000000e+00 : f32
        %parallel_loop3A_117 = vector.broadcast %parallel_loop3A_116 : f32 to vector<16xf32>
        %parallel_loop3A_118 = arith.select %parallel_loop3A_114, %parallel_loop3A_115, %parallel_loop3A_117 : vector<16xi1>, vector<16xf32>
        %parallel_loop3A_119 = arith.index_cast %parallel_loop3A_90 : i32 to index
        %parallel_loop3A_120 = tpu.vector_load %arg13[%parallel_loop3A_119] {strides = array<i32>} : memref<3312xf32, #tpu.memory_space<vmem>>, vector<16xf32>,
        tpu.vector_store %arg13[%parallel_loop3A_119], %parallel_loop3A_118 {strides = array<i32>} : memref<3312xf32, #tpu.memory_space<vmem>>, vector<16xf32>,
      } {sc.loop_unroll_factor = 4 : i64, sc.parallel_access}
    } else {
    }
    %convert_element_type3A_66 = arith.extui %eq3A_0 : i1 to i32
    %cond3A_67 = arith.constant 0 : i32
    %cond3A_68 = arith.cmpi ne, %convert_element_type3A_66, %cond3A_67 : i32
    scf.if %cond3A_68 {
      "tpu.region"() ({
        %run_scoped3A = tpu.sem_alloc : memref<!tpu.dma_semaphore, #tpu.memory_space<semaphore_mem>>
        %dma_start3A = arith.constant 0 : i32
        %dma_start3A_75 = tpu.memref_slice %arg13[%dma_start3A] : memref<3312xf32, #tpu.memory_space<vmem>> -> memref<3312xf32, #tpu.memory_space<vmem>>
        %dma_start3A_76 = tpu.memref_slice %arg6[%multiple_of3A] : memref<100000xf32, #tpu.memory_space<hbm>> -> memref<3312xf32, #tpu.memory_space<hbm>>
        %dma_start3A_77 = tpu.memref_slice %arg6[%multiple_of3A] : memref<100000xf32, #tpu.memory_space<hbm>> -> memref<3312xf32, #tpu.memory_space<hbm>>
        %dma_start3A_78 = arith.constant 0 : i32
        %dma_start3A_79 = tpu.memref_slice %arg13[%dma_start3A_78] : memref<3312xf32, #tpu.memory_space<vmem>> -> memref<3312xf32, #tpu.memory_space<vmem>>
        tpu.enqueue_dma source(%dma_start3A_79 : memref<3312xf32, #tpu.memory_space<vmem>>) target(%dma_start3A_77 : memref<3312xf32, #tpu.memory_space<hbm>>) target_semaphore(%run_scoped3A : memref<!tpu.dma_semaphore, #tpu.memory_space<semaphore_mem>>)
        %dma_wait3A = arith.constant 0 : i32
        %dma_wait3A_80 = tpu.memref_slice %arg13[%dma_wait3A] : memref<3312xf32, #tpu.memory_space<vmem>> -> memref<3312xf32, #tpu.memory_space<vmem>>
        %dma_wait3A_81 = tpu.memref_slice %arg6[%multiple_of3A] : memref<100000xf32, #tpu.memory_space<hbm>> -> memref<3312xf32, #tpu.memory_space<hbm>>
        %dma_wait3A_82 = tpu.memref_slice %arg6[%multiple_of3A] : memref<100000xf32, #tpu.memory_space<hbm>> -> memref<3312xf32, #tpu.memory_space<hbm>>
        %dma_wait3A_83 = arith.constant 0 : i32
        %dma_wait3A_84 = tpu.memref_slice %arg13[%dma_wait3A_83] : memref<3312xf32, #tpu.memory_space<vmem>> -> memref<3312xf32, #tpu.memory_space<vmem>>
        tpu.wait_dma2 semaphore(%run_scoped3A : memref<!tpu.dma_semaphore, #tpu.memory_space<semaphore_mem>>) src(%dma_wait3A_84 : memref<3312xf32, #tpu.memory_space<vmem>>) dst(%dma_wait3A_82 : memref<3312xf32, #tpu.memory_space<hbm>>)
        tpu.yield
      }) : () -> ()
    } else {
    }
    %convert_element_type3A_69 = arith.extui %and3A_8 : i1 to i32
    %cond3A_70 = arith.constant 0 : i32
    %cond3A_71 = arith.cmpi ne, %convert_element_type3A_69, %cond3A_70 : i32
    scf.if %cond3A_71 {
      "tpu.region"() ({
        %run_scoped3A = tpu.sem_alloc : memref<!tpu.dma_semaphore, #tpu.memory_space<semaphore_mem>>
        %dma_start3A = arith.constant 0 : i32
        %dma_start3A_75 = tpu.memref_slice %arg13[%dma_start3A] : memref<3312xf32, #tpu.memory_space<vmem>> -> memref<2944xf32, #tpu.memory_space<vmem>>
        %dma_start3A_76 = tpu.memref_slice %arg6[%multiple_of3A_13] : memref<100000xf32, #tpu.memory_space<hbm>> -> memref<2944xf32, #tpu.memory_space<hbm>>
        %dma_start3A_77 = tpu.memref_slice %arg6[%multiple_of3A_13] : memref<100000xf32, #tpu.memory_space<hbm>> -> memref<2944xf32, #tpu.memory_space<hbm>>
        %dma_start3A_78 = arith.constant 0 : i32
        %dma_start3A_79 = tpu.memref_slice %arg13[%dma_start3A_78] : memref<3312xf32, #tpu.memory_space<vmem>> -> memref<2944xf32, #tpu.memory_space<vmem>>
        tpu.enqueue_dma source(%dma_start3A_79 : memref<2944xf32, #tpu.memory_space<vmem>>) target(%dma_start3A_77 : memref<2944xf32, #tpu.memory_space<hbm>>) target_semaphore(%run_scoped3A : memref<!tpu.dma_semaphore, #tpu.memory_space<semaphore_mem>>)
        %dma_wait3A = arith.constant 0 : i32
        %dma_wait3A_80 = tpu.memref_slice %arg13[%dma_wait3A] : memref<3312xf32, #tpu.memory_space<vmem>> -> memref<2944xf32, #tpu.memory_space<vmem>>
        %dma_wait3A_81 = tpu.memref_slice %arg6[%multiple_of3A_13] : memref<100000xf32, #tpu.memory_space<hbm>> -> memref<2944xf32, #tpu.memory_space<hbm>>
        %dma_wait3A_82 = tpu.memref_slice %arg6[%multiple_of3A_13] : memref<100000xf32, #tpu.memory_space<hbm>> -> memref<2944xf32, #tpu.memory_space<hbm>>
        %dma_wait3A_83 = arith.constant 0 : i32
        %dma_wait3A_84 = tpu.memref_slice %arg13[%dma_wait3A_83] : memref<3312xf32, #tpu.memory_space<vmem>> -> memref<2944xf32, #tpu.memory_space<vmem>>
        tpu.wait_dma2 semaphore(%run_scoped3A : memref<!tpu.dma_semaphore, #tpu.memory_space<semaphore_mem>>) src(%dma_wait3A_84 : memref<2944xf32, #tpu.memory_space<vmem>>) dst(%dma_wait3A_82 : memref<2944xf32, #tpu.memory_space<hbm>>)
        tpu.yield
      }) : () -> ()
    } else {
    }
    %convert_element_type3A_72 = arith.extui %and3A : i1 to i32
    %cond3A_73 = arith.constant 0 : i32
    %cond3A_74 = arith.cmpi ne, %convert_element_type3A_72, %cond3A_73 : i32
    scf.if %cond3A_74 {
      "tpu.region"() ({
        %run_scoped3A = tpu.sem_alloc : memref<!tpu.dma_semaphore, #tpu.memory_space<semaphore_mem>>
        %dma_start3A = arith.constant 0 : i32
        %dma_start3A_75 = tpu.memref_slice %arg13[%dma_start3A] : memref<3312xf32, #tpu.memory_space<vmem>> -> memref<2848xf32, #tpu.memory_space<vmem>>
        %dma_start3A_76 = tpu.memref_slice %arg6[%multiple_of3A_13] : memref<100000xf32, #tpu.memory_space<hbm>> -> memref<2848xf32, #tpu.memory_space<hbm>>
        %dma_start3A_77 = tpu.memref_slice %arg6[%multiple_of3A_13] : memref<100000xf32, #tpu.memory_space<hbm>> -> memref<2848xf32, #tpu.memory_space<hbm>>
        %dma_start3A_78 = arith.constant 0 : i32
        %dma_start3A_79 = tpu.memref_slice %arg13[%dma_start3A_78] : memref<3312xf32, #tpu.memory_space<vmem>> -> memref<2848xf32, #tpu.memory_space<vmem>>
        tpu.enqueue_dma source(%dma_start3A_79 : memref<2848xf32, #tpu.memory_space<vmem>>) target(%dma_start3A_77 : memref<2848xf32, #tpu.memory_space<hbm>>) target_semaphore(%run_scoped3A : memref<!tpu.dma_semaphore, #tpu.memory_space<semaphore_mem>>)
        %dma_wait3A = arith.constant 0 : i32
        %dma_wait3A_80 = tpu.memref_slice %arg13[%dma_wait3A] : memref<3312xf32, #tpu.memory_space<vmem>> -> memref<2848xf32, #tpu.memory_space<vmem>>
        %dma_wait3A_81 = tpu.memref_slice %arg6[%multiple_of3A_13] : memref<100000xf32, #tpu.memory_space<hbm>> -> memref<2848xf32, #tpu.memory_space<hbm>>
        %dma_wait3A_82 = tpu.memref_slice %arg6[%multiple_of3A_13] : memref<100000xf32, #tpu.memory_space<hbm>> -> memref<2848xf32, #tpu.memory_space<hbm>>
        %dma_wait3A_83 = arith.constant 0 : i32
        %dma_wait3A_84 = tpu.memref_slice %arg13[%dma_wait3A_83] : memref<3312xf32, #tpu.memory_space<vmem>> -> memref<2848xf32, #tpu.memory_space<vmem>>
        tpu.wait_dma2 semaphore(%run_scoped3A : memref<!tpu.dma_semaphore, #tpu.memory_space<semaphore_mem>>) src(%dma_wait3A_84 : memref<2848xf32, #tpu.memory_space<vmem>>) dst(%dma_wait3A_82 : memref<2848xf32, #tpu.memory_space<hbm>>)
        tpu.yield
      }) : () -> ()
    } else {
    }
    return
  }
}

</mosaic_0001>

<sc_bundles>
// kernel: _flux_div_sc.3.cloned.1.call-start
scs
__scs_entry_jumppad:
0x0: {  	(pc) =	sbr.rel $0x88, $3  }
0x1: {  	(tag) =	ssettag $0x0;
	lr =	simm.s32 $0x1  }
0x2: {  	[smem:$0x3F9D] =	sst lr;
	_ =	strace $0xD0000000  }
0x3: {  	_ = 	snop  }
0x4: {  	_ = 	snop  }
0x5: {  	_ = 	snop  }
0x6: {  	_ = 	snop  }
0x7: {  	_ = 	snop  }
__scs_overlays_trampoline_lowered:
0x8: {  	[smem:$0x3FAC] =	sst s0  }
0x9: {  	[smem:$0x3FAD] =	sst s1  }
0xa: {  	[smem:$0x3FAE] =	sst s2  }
0xb: {  	[smem:$0x3FAF] =	sst s3  }
0xc: {  	[smem:$0x3FB0] =	sst s4  }
0xd: {  	[smem:$0x3FB1] =	sst s5  }
0xe: {  	[smem:$0x3FB2] =	sst s6  }
0xf: {  	[smem:$0x3FB3] =	sst s7  }
0x10: {  	[smem:$0x3FB4] =	sst s8  }
0x11: {  	[smem:$0x3FB5] =	sst s9;
	s0 =	simm.s32 @!p0 $0x0  }
0x12: {  	s1 =	sld [smem:$0x3F9B];
	s0 =	simm.s32 @p0 $0x1  }
0x13: {  	[smem:$0x3FB6] =	sst s0;
	s0 =	simm.s32 @!p1 $0x0  }
0x14: {  	s2 =	sld [smem:$0x3F9A];
	s0 =	simm.s32 @p1 $0x1  }
0x15: {  	[smem:$0x3FB7] =	sst s0;
	s0 =	simm.s32 @!p2 $0x0  }
0x16: {  	s3 =	sld [smem:$0x3FDB];
	s0 =	simm.s32 @p2 $0x1  }
0x17: {  	s4 =	simm.s32 $0x1BF5;
	[smem:$0x3FB9] =	sst s0  }
0x18: {  	s0 =	sld [smem:$0x3F9C];
	_ =	swait.ge [sflag:s4], $0x0  }
0x19: {  	s7 =	sld [smem:$0x3F9D]  }
0x1a: {  	s8 =	sadd.s32 $0xFFFFE003, lr  }
0x1b: {  	s9 =	sadd.s32 $0xFFFFFEF7, lr;
	s5 =	simm.s32 $0xFFFFFFFF;
	p2 =	slt.u32 s8, $0xFFFFF086  }
0x1c: {  	p1 =	slt.u32 s9, $0xF7A;
	s5 =	simm.s32 @!p2 $0x0  }
0x1d: {  	s5 =	simm.s32 @p1 $0x1;
	p0 =	seq.s32 s7, s2  }
0x1e: {  	s7 =	smul.u32 @!p0 $0xF7A, s2;
	p2 =	seq.s32 @!p0 s5, $0x0  }
0x1f: {  	s9 =	smul.u32 $0xF7A, s1;
	s8 =	simm.s32 @!p0 $0x1BF5;
	p2 =	por !p2, p0  }
0x20: {  	[sflag:s8] =	ssyncset.s32 @!p0 $0xFFFFF086;
	s6 =	sadd.s32 @!p0 s3, s7;
	s7 =	simm.s32 @!p0 $0x108  }
0x21: {  	s3 =	sadd.s32 s3, s9;
	s6 =	sadd.s32 @!p0 $0x88, s6;
	s7 =	simm.s32 @p2 $0x1082  }
0x22: {  	[simem:s7], [sflag:s8] =	dma.local @!p0 [hbm:s6], $0xF7A  }
0x23: {  	s9 =	sor.u32 $0xD0000000, s2;
	s6 =	simm.s32 $0x108;
	_ =	swait.ge @!p0 [sflag:s8], $0x0  }
0x24: {  	s3 =	sadd.s32 $0x88, s3;
	s6 =	simm.s32 @!p1 $0x1082;
	[sflag:s4] =	ssyncset.s32 $0xFFFFF086  }
0x25: {  	[simem:s6], [sflag:s4] =	dma.local [hbm:s3], $0xF7A  }
0x26: {  	[smem:$0x3F9D] =	sst s1;
	(tag) =	ssettag s2;
	_ =	strace s9  }
0x27: {  	s1 =	sld [smem:$0x3FAD]  }
0x28: {  	s2 =	sld [smem:$0x3FAE]  }
0x29: {  	s4 =	sld [smem:$0x3FB0]  }
0x2a: {  	p0 =	seq.s32 s5, $0x0;
	s5 =	sld [smem:$0x3FB1]  }
0x2b: {  	s6 =	sld [smem:$0x3FB2]  }
0x2c: {  	s7 =	sld [smem:$0x3FB3]  }
0x2d: {  	s3 =	simm.s32 $0x108;
	s8 =	sld [smem:$0x3FB4]  }
0x2e: {  	s3 =	simm.s32 @!p0 $0x1082;
	s9 =	sld [smem:$0x3FB5]  }
0x2f: {  	lr =	sadd.s32 s0, s3;
	s0 =	sld [smem:$0x3FAC]  }
0x30: {  	s3 =	sld [smem:$0x3FAF]  }
0x31: {  	[smem:$0x3FB8] =	sst s10  }
0x32: {  	s10 =	sld [smem:$0x3FB6];
	_ =	sdelay $0x3  }
0x33: {  	p0 =	seq.s32 s10, $0x1;
	s10 =	sld [smem:$0x3FB8];
	_ =	sdelay $0x3  }
0x34: {  	[smem:$0x3FB8] =	sst s10  }
0x35: {  	s10 =	sld [smem:$0x3FB7];
	_ =	sdelay $0x3  }
0x36: {  	p1 =	seq.s32 s10, $0x1;
	s10 =	sld [smem:$0x3FB8];
	_ =	sdelay $0x3  }
0x37: {  	[smem:$0x3FB8] =	sst s10  }
0x38: {  	s10 =	sld [smem:$0x3FB9]  }
0x39: {  	_ = 	snop;
	(pc) =	sbr.ind lr, $3  }
0x3a: {  	_ = 	snop  }
0x3b: {  	_ = 	snop  }
0x3c: {  	p2 =	seq.s32 s10, $0x1;
	s10 =	sld [smem:$0x3FB8]  }
0x3d: {  	_ =	shalt  }
0x3e: {  	_ =	shalt  }
0x3f: {  	_ =	shalt  }
0x40: {  	_ =	shalt  }
0x41: {  	_ =	shalt  }
0x42: {  	_ =	shalt  }
0x43: {  	_ =	shalt  }
0x44: {  	_ =	shalt  }
0x45: {  	_ =	shalt  }
0x46: {  	_ =	shalt  }
0x47: {  	_ =	shalt  }
0x48: {  	_ =	shalt  }
0x49: {  	_ =	shalt  }
0x4a: {  	_ =	shalt  }
0x4b: {  	_ =	shalt  }
0x4c: {  	_ =	shalt  }
0x4d: {  	_ =	shalt  }
0x4e: {  	_ =	shalt  }
0x4f: {  	_ =	shalt  }
0x50: {  	_ =	shalt  }
0x51: {  	_ =	shalt  }
0x52: {  	_ =	shalt  }
0x53: {  	_ =	shalt  }
0x54: {  	_ =	shalt  }
0x55: {  	_ =	shalt  }
0x56: {  	_ =	shalt  }
0x57: {  	_ =	shalt  }
0x58: {  	_ =	shalt  }
0x59: {  	_ =	shalt  }
0x5a: {  	_ =	shalt  }
0x5b: {  	_ =	shalt  }
0x5c: {  	_ =	shalt  }
0x5d: {  	_ =	shalt  }
0x5e: {  	_ =	shalt  }
0x5f: {  	_ =	shalt  }
0x60: {  	_ =	shalt  }
0x61: {  	_ =	shalt  }
0x62: {  	_ =	shalt  }
0x63: {  	_ =	shalt  }
0x64: {  	_ =	shalt  }
0x65: {  	_ =	shalt  }
0x66: {  	_ =	shalt  }
0x67: {  	_ =	shalt  }
0x68: {  	_ =	shalt  }
0x69: {  	_ =	shalt  }
0x6a: {  	_ =	shalt  }
0x6b: {  	_ =	shalt  }
0x6c: {  	_ =	shalt  }
0x6d: {  	_ =	shalt  }
0x6e: {  	_ =	shalt  }
0x6f: {  	_ =	shalt  }
0x70: {  	_ =	shalt  }
0x71: {  	_ =	shalt  }
0x72: {  	_ =	shalt  }
0x73: {  	_ =	shalt  }
0x74: {  	_ =	shalt  }
0x75: {  	_ =	shalt  }
0x76: {  	_ =	shalt  }
0x77: {  	_ =	shalt  }
0x78: {  	_ =	shalt  }
0x79: {  	_ =	shalt  }
0x7a: {  	_ =	shalt  }
0x7b: {  	_ =	shalt  }
0x7c: {  	_ =	shalt  }
0x7d: {  	_ =	shalt  }
0x7e: {  	_ =	shalt  }
0x7f: {  	_ =	shalt  }
0x80: {  	_ =	shalt  }
0x81: {  	_ =	shalt  }
0x82: {  	_ =	shalt  }
0x83: {  	_ =	shalt  }
0x84: {  	_ =	shalt  }
0x85: {  	_ =	shalt  }
0x86: {  	_ =	shalt  }
0x87: {  	_ =	shalt  }
.Lfunc_end0:
.L_simem_size_0:
called_computation_lowered:
.L_overlay_start_0:
0x88: {  	s2 =	sld [smem:$0x3FD9]  }
0x89: {  	s3 =	sld [smem:$0x3FFE];
	_ =	sdelay $0x1  }
0x8a: {  	s1 =	srdreg.scid  }
0x8b: {  	s0 =	sand.u32 $0x1, s1  }
0x8c: {  	s18 =	sshll.u32 s0, $0xA;
	s2 =	sadd.s32 s3, s2  }
0x8d: {  	s2 =	sadd.s32 s2, s18  }
0x8e: {  	[smem:$0x3FC4] =	sst s2  }
0x8f: {  	_ = 	snop  }
0x90: {  	s2 =	sld [smem:$0x3FC9]  }
0x91: {  	s19 =	sld [smem:$0x3FC8]  }
0x92: {  	s4 =	sld [smem:$0x3FC7]  }
0x93: {  	s5 =	sld [smem:$0x3FC6]  }
0x94: {  	s6 =	sld [smem:$0x3FD0];
	(tm) =	ssettm $0x1  }
0x95: {  	s7 =	sld [smem:$0x3FFB];
	_ =	sdelay $0x3  }
0x96: {  	_ =	strace s7  }
0x97: {  	s7 =	sld [smem:$0x3FFC];
	_ =	sdelay $0x3  }
0x98: {  	_ =	strace s7  }
0x99: {  	s7 =	sld [smem:$0x3FFD];
	_ =	sdelay $0x3  }
0x9a: {  	_ =	strace s7  }
0x9b: {  	_ =	strace $0x8FFFFFFF  }
0x9c: {  	s20 =	sld [smem:$0x3FDB];
	_ =	sdelay $0x1  }
0x9d: {  	s8 =	simm.s32 $_scs_section_size  }
0x9e: {  	s9 =	simm.s32 $_size__tile_overlayer_lowered;
	s10 =	simm.s32 $_tile_overlayer_lowered  }
0x9f: {  	s23 =	simm.s32 $0x1BFF;
	s22 =	sshll.u32 s10, $0x1;
	s7 =	sadd.s32 s8, s20  }
0xa0: {  	s11 =	simm.s32 $0x0;
	s21 =	sshll.u32 s9, $0x1;
	s9 =	sadd.s32 s22, s7  }
0xa1: {  	[timem:s11], [sflag:s23] =	dma.local [hbm:s9], s21  }
0xa2: {  	_ =	swait.ge [sflag:s23], s21  }
0xa3: {  	s8 =	ssub.s32 $0x0, s21;
	[sflag:s23] =	ssyncset.done $0x0  }
0xa4: {  	[sflag:s23] =	ssyncadd.s32 s8;
	_ =	sdelay $0x1  }
0xa5: {  	s24 =	simm.s32 $0x1B8B  }
0xa6: {  	_ =	swait.ge [sflag:s24], $0x1  }
0xa7: {  	[sflag:s24] =	ssyncset.done $0x0  }
0xa8: {  	s25 =	simm.s32 $0x1B8E;
	[sflag:s24] =	ssyncadd.s32 $0xFFFFFFFF  }
0xa9: {  	s26 =	simm.s32 $execute0_lowered;
	[smem:$0x3FD2] =	sst s25  }
0xaa: {  	s8 =	sshll.u32 s26, $0x1;
	_ =	strace $0x80000046;
	[dreg:$0x1] =	wrdreg $0xFFFFFFFF  }
0xab: {  	s28 =	simm.s32 $_size_execute0_lowered;
	s7 =	sadd.s32 s7, s8;
	[dreg:$0x0] =	wrdreg $0x0  }
0xac: {  	s8 =	sshll.u32 s28, $0x1;
	[dreg:$0x2] =	wrdreg s7  }
0xad: {  	[dreg:$0x3] =	wrdreg s8  }
0xae: {  	[dreg:$0x4] =	wrdreg $0xC0  }
0xaf: {  	_ =	task [dreg:s11], $0x5FFFF  }
0xb0: {  	[dreg:$0x1] =	wrdreg $0xFFFFFFFF  }
0xb1: {  	[dreg:$0x0] =	wrdreg $0x60  }
0xb2: {  	[dreg:$0x2] =	wrdreg s2  }
0xb3: {  	[dreg:$0x3] =	wrdreg s19  }
0xb4: {  	[dreg:$0x4] =	wrdreg s4  }
0xb5: {  	[dreg:$0x5] =	wrdreg s5  }
0xb6: {  	[dreg:$0x6] =	wrdreg s6  }
0xb7: {  	[dreg:$0x7] =	wrdreg $0x0  }
0xb8: {  	[dreg:$0x8] =	wrdreg $0x9  }
0xb9: {  	_ =	task.clear_ibuf [dreg:s11], $0x9FFFF;
	_ =	strace $0x90000046  }
0xba: {  	s29 =	simm.s32 $0x9;
	_ =	strace $0x80000048  }
0xbb: {  	_ =	swait.ge [sflag:s29], $0x1  }
0xbc: {  	[sflag:s29] =	ssyncadd.s32 $0xFFFFFFFF  }
0xbd: {  	_ =	strace $0x90000048  }
0xbe: {  	_ =	sfence  }
0xbf: {  	s30 =	sld [smem:$0x0];
	_ =	sdelay $0x2  }
0xc0: {  	s31 =	sshll.u32 s1, $0xD;
	s1 =	sshrl.u32 s1, $0x2  }
0xc1: {  	s3 =	sand.u32 $0x4000, s31;
	s1 =	sadd.s32 s1, s30  }
0xc2: {  	s0 =	sor.u32 s3, s0;
	s1 =	sshll.u32 s1, $0x11  }
0xc3: {  	s0 =	sor.u32 s1, s0  }
0xc4: {  	s0 =	sadd.s32 $0x8F2B, s0  }
0xc5: {  	[sflag:s0] =	ssyncadd.remote.s32 $0x1  }
0xc6: {  	_ =	sfence.sel $0xFFFF  }
0xc7: {  	[dreg:$0x0] =	wrdreg $0xFFFFFFFF;
	(pc) =	sbr.abs _section_cstart, $3  }
0xc8: {  	[dreg:$0x1] =	wrdreg $0xFFFFFFFF  }
0xc9: {  	_ =	task.clear_ibuf [dreg:s11], $0x2FFFF;
	_ =	strace $0x9FFFFFFF  }
0xca: {  	(tm) =	ssettm $0x7FFFFFFF  }
0xcb: {  	_ =	shalt  }
tec
execute0_lowered:
.L_overlay_start_1:
0x0: {  	(tag) =	ssettag $0x1  }
0x1: {  	s0 =	rddreg [dreg:$0x0]  }
0x2: {  	s1 =	rddreg [dreg:$0x1]  }
0x3: {  	s3 =	rddreg [dreg:$0x2]  }
0x4: {  	s4 =	rddreg [dreg:$0x3]  }
0x5: {  	s5 =	rddreg [dreg:$0x4]  }
0x6: {  	s2 =	srdreg.scid;
	s19 =	stileid.u32  }
0x7: {  	s18 =	rddreg [dreg:$0x5];
	s14 =	sand.u32 $0x1, s2;
	s11 =	smul.u32 $0xCF0, s19  }
0x8: {  	s2 =	simm.s32 $0x0;
	p0 =	seq.s32 s19, $0xF;
	s16 =	smul.u32 $0x30B0, s19  }
0x9: {  	p3 =	sne.s32 s19, $0xF;
	s12 =	smul.u32 $0xB80, s19;
	s8 =	sadd.s32 $0x5B4A, s0  }
0xa: {  	s20 =	sadd.s32 $0x2F70, s1;
	s21 =	sadd.s32 $0x6044, s1;
	s22 =	sadd.s32 $0x9118, s1  }
0xb: {  	s23 =	sshll.u32 s19, $0x8;
	s24 =	sadd.s32 $0x2F70, s3;
	[smem:$0x7FF] =	sst s2  }
0xc: {  	s26 =	sadd.s32 $0x2F70, s4;
	_ =	strace $0x80000047;
	[dreg:$0x7] =	wrdreg s8  }
0xd: {  	s6 =	ssub.s32 $0x2, s14;
	p2 =	seq.s32 s14, $0x1;
	[dreg:$0xa] =	wrdreg s20  }
0xe: {  	s25 =	sadd.s32 s23, s18;
	s7 =	sshrl.u32 s6, $0x1;
	[dreg:$0xb] =	wrdreg s21  }
0xf: {  	p1 =	por !p0, !p2;
	p2 =	por !p3, !p2;
	[dreg:$0xc] =	wrdreg s22  }
0x10: {  	s13 =	sshrl.u32 s16, $0x3;
	s10 =	sshrl.u32 s12, $0x3;
	[dreg:$0xe] =	wrdreg s24  }
0x11: {  	p3 =	sne.s32 s14, $0x0;
	[dreg:$0xf] =	wrdreg s26;
	s21 =	sadd.s32 $0x61580, s25  }
0x12: {  	s22 =	sadd.s32 s16, s18;
	s25 =	sadd.s32 $0x2F70, s5;
	s14 =	simm.s32 $0x2  }
0x13: {  	s16 =	simm.s32 $0x1;
	s15 =	ssub.s32 s6, s7;
	p1 =	por !p1, !p1  }
0x14: {  	p2 =	por !p2, !p2;
	s0 =	sadd.s32 s0, s13;
	s12 =	sadd.s32 s1, s10  }
0x15: {  	s31 =	sadd.s32 $0x30AC0, s22;
	[dreg:$0x8] =	wrdreg s0;
	s0 =	sshrl.u32 s11, $0x3  }
0x16: {  	s11 =	sadd.s32 $0x7B88, s12;
	s26 =	smax.u32 s15, $0x1;
	s6 =	sadd.s32 s1, s0  }
0x17: {  	s17 =	sadd.s32 s3, s0;
	s8 =	sadd.s32 s4, s0;
	s0 =	sadd.s32 s5, s0  }
0x18: {  	[dreg:$0x9] =	wrdreg s17;
	s17 =	sadd.s32 $0x19E0, s10;
	s10 =	sadd.s32 $0x4AB4, s12  }
.Ltmp0:
0x19: {  	s12 =	sadd.s32 $0xAC5C, s12;
	[dreg:$0x10] =	wrdreg s0;
	(pc) =	sbr.rel .LBB2_1-.Ltmp0, $4  }
0x1a: {  	s28 =	sadd.s32 $0x30D4, s6;
	s29 =	sadd.s32 $0x61A8, s6;
	s30 =	sadd.s32 $0x927C, s6  }
0x1b: {  	s9 =	sadd.s32 s1, s17;
	s13 =	sadd.s32 s3, s17;
	s1 =	sadd.s32 $0xC1EC, s1  }
0x1c: {  	s19 =	sadd.s32 s4, s17;
	s24 =	sadd.s32 s5, s17;
	s3 =	simm.s32 $0xCA58  }
0x1d: {  	v0 =	vimm.s32 $0x61580;
	v1 =	vimm.f32 $0.0e+00;
	s17 =	simm.s32 $0x0;
	[dreg:$0xd] =	wrdreg s1;
	s1 =	simm.s32 $0x3  }
.LBB2_26:
0x1e: {  	v2 =	vadd.f32 v2, v14  }
0x1f: {  	v6 =	vadd.f32 v6, v12;
	v62 =	vld [tilespmem:s20+$0x0];
	v7 =	vadd.f32 v7, v13  }
0x20: {  	v2 =	vadd.f32 v3, v2  }
0x21: {  	v3 =	vadd.f32 v8, v6;
	v5 =	vmul.f32 v5, v7  }
0x22: {  	vm0 =	veq.s32 v10, $0x0;
	v2 =	vmul.f32 v4, v2  }
0x23: {  	vm1 =	veq.s32 v9, $0x0;
	v3 =	vmul.f32 v11, v3;
	v63 =	vnsel vm0, $0x0, v5  }
0x24: {  	vm15 =	veq.s32 v62, $0x0;
	[tilespmem:s23+$0xFFFFFFF0] =	vst v63;
	v2 =	vnsel vm1, $0x0, v2  }
0x25: {  	v3 =	vnsel vm15, $0x0, v3;
	[tilespmem:s23+$0xFFFFFFE0] =	vst v2  }
0x26: {  	[tilespmem:s23+$0x0] =	vst v3  }
.LBB2_27:
0x27: {  	s0 =	simm.s32 @p2 $0x0;
	s4 =	simm.s32 @p2 $0x11858  }
0x28: {  	[hbm4b:s24+s0] =	stream.linear.scatter @p2 [tilespmem:s4], [sflag:$0x3], $0xB80, $0x38;
	[tilespmem:$0x12558] =	vst v63  }
0x29: {  	s0 =	simm.s32 @p2 $0x3  }
0x2a: {  	_ =	swait.ge @p2 [sflag:s0], $0xB80  }
0x2b: {  	s17 =	sadd.s32 $0x1, s17;
	s4 =	simm.s32 @p1 $0x11858;
	[sflag:s0] =	ssyncset.done @p2 $0x0  }
0x2c: {  	p4 =	sne.s32 s17, s26;
	[sflag:s0] =	ssyncadd.s32 @p2 $0xFFFFF480;
	s0 =	simm.s32 @p1 $0x0  }
0x2d: {  	[hbm4b:s25+s0] =	stream.linear.scatter @p1 [tilespmem:s4], [sflag:$0x3], $0xB20, $0x38;
	[tilespmem:$0x12558] =	vst v63  }
.Ltmp1:
0x2e: {  	_ = 	snop;
	(pc) =	sbr.rel @!p4 .LBB2_28-.Ltmp1, $4  }
0x2f: {  	s0 =	simm.s32 @p1 $0x3  }
0x30: {  	_ =	swait.ge @p1 [sflag:s0], $0xB20  }
0x31: {  	[sflag:s0] =	ssyncset.done @p1 $0x0  }
0x32: {  	[sflag:s0] =	ssyncadd.s32 @p1 $0xFFFFF4E0  }
.LBB2_1:
0x33: {  	s0 =	simm.s32 @p0 $0x0;
	s4 =	simm.s32 @p0 $0x9658;
	s5 =	rddreg [dreg:$0x7]  }
0x34: {  	[tilespmem:s4], [sflag:$0x2] =	stream.linear.gather @p0 [hbm4b:s5+s0], $0x3066, $0x38;
	[tilespmem:$0x12558] =	vst v63  }
0x35: {  	s0 =	simm.s32 @!p0 $0x0;
	s4 =	simm.s32 @!p0 $0x9658;
	s5 =	rddreg [dreg:$0x8]  }
0x36: {  	[tilespmem:s4], [sflag:$0x2] =	stream.linear.gather @!p0 [hbm4b:s5+s0], $0x30B0, $0x38;
	[tilespmem:$0x12558] =	vst v63  }
0x37: {  	s0 =	simm.s32 @!p3 $0x0;
	s4 =	simm.s32 @!p3 $0x6258  }
0x38: {  	[tilespmem:s4], [sflag:$0x1] =	stream.linear.gather @!p3 [hbm4b:s6+s0], $0xCF0, $0x38;
	[tilespmem:$0x12558] =	vst v63  }
0x39: {  	s4 =	simm.s32 @!p3 $0x6F48  }
0x3a: {  	[tilespmem:s4], [sflag:$0x1] =	stream.linear.gather @!p3 [hbm4b:s28+s0], $0xCF0, $0x38;
	[tilespmem:$0x12558] =	vst v63  }
0x3b: {  	s4 =	simm.s32 @!p3 $0x7C38  }
0x3c: {  	[tilespmem:s4], [sflag:$0x1] =	stream.linear.gather @!p3 [hbm4b:s29+s0], $0xCF0, $0x38;
	[tilespmem:$0x12558] =	vst v63  }
0x3d: {  	s4 =	simm.s32 @!p3 $0x8928  }
0x3e: {  	[tilespmem:s4], [sflag:$0x1] =	stream.linear.gather @!p3 [hbm4b:s30+s0], $0xCF0, $0x38;
	[tilespmem:$0x12558] =	vst v63  }
0x3f: {  	s5 =	rddreg [dreg:$0x9];
	s4 =	simm.s32 @!p3 $0xFE58  }
0x40: {  	[tilespmem:s4], [sflag:$0x1] =	stream.linear.gather @!p3 [hbm4b:s5+s0], $0xCF0, $0x38;
	[tilespmem:$0x12558] =	vst v63  }
0x41: {  	s4 =	simm.s32 @!p3 $0x10B58  }
0x42: {  	[tilespmem:s4], [sflag:$0x1] =	stream.linear.gather @!p3 [hbm4b:s8+s0], $0xCF0, $0x38;
	[tilespmem:$0x12558] =	vst v63  }
0x43: {  	s0 =	simm.s32 @p2 $0x0;
	s4 =	simm.s32 @p2 $0x6258  }
0x44: {  	[tilespmem:s4], [sflag:$0x1] =	stream.linear.gather @p2 [hbm4b:s9+s0], $0xB80, $0x38;
	[tilespmem:$0x12558] =	vst v63  }
0x45: {  	s4 =	simm.s32 @p2 $0x6DD8  }
0x46: {  	[tilespmem:s4], [sflag:$0x1] =	stream.linear.gather @p2 [hbm4b:s10+s0], $0xB80, $0x38;
	[tilespmem:$0x12558] =	vst v63  }
0x47: {  	s4 =	simm.s32 @p2 $0x7958  }
0x48: {  	[tilespmem:s4], [sflag:$0x1] =	stream.linear.gather @p2 [hbm4b:s11+s0], $0xB80, $0x38;
	[tilespmem:$0x12558] =	vst v63  }
0x49: {  	s4 =	simm.s32 @p2 $0x84D8  }
0x4a: {  	[tilespmem:s4], [sflag:$0x1] =	stream.linear.gather @p2 [hbm4b:s12+s0], $0xB80, $0x38;
	[tilespmem:$0x12558] =	vst v63  }
.Ltmp2:
0x4b: {  	_ = 	snop;
	(pc) =	sbr.rel @!p1 .LBB2_5-.Ltmp2, $4  }
0x4c: {  	s4 =	simm.s32 @p2 $0xFE58  }
0x4d: {  	[tilespmem:s4], [sflag:$0x1] =	stream.linear.gather @p2 [hbm4b:s13+s0], $0xB80, $0x38;
	[tilespmem:$0x12558] =	vst v63  }
0x4e: {  	s4 =	simm.s32 @p2 $0x10B58  }
0x4f: {  	[tilespmem:s4], [sflag:$0x1] =	stream.linear.gather @p2 [hbm4b:s19+s0], $0xB80, $0x38;
	[tilespmem:$0x12558] =	vst v63  }
0x50: {  	s0 =	rddreg [dreg:$0xa];
	s4 =	simm.s32 $0x6258  }
0x51: {  	[tilespmem:s4], [sflag:$0x1] =	stream.linear.gather [hbm4b:s0+s2], $0xB20, $0x38;
	[tilespmem:$0x12558] =	vst v63  }
0x52: {  	s15 =	rddreg [dreg:$0xb];
	s18 =	simm.s32 $0x6DD8  }
0x53: {  	[tilespmem:s18], [sflag:$0x1] =	stream.linear.gather [hbm4b:s15+s2], $0xB20, $0x38;
	[tilespmem:$0x12558] =	vst v63  }
0x54: {  	s20 =	rddreg [dreg:$0xc];
	s23 =	simm.s32 $0x7958  }
0x55: {  	[tilespmem:s23], [sflag:$0x1] =	stream.linear.gather [hbm4b:s20+s2], $0xB20, $0x38;
	[tilespmem:$0x12558] =	vst v63  }
0x56: {  	s5 =	rddreg [dreg:$0xd];
	s7 =	simm.s32 $0x84D8;
	s0 =	simm.s32 $0x0  }
0x57: {  	[tilespmem:s7], [sflag:$0x1] =	stream.linear.gather [hbm4b:s5+s2], $0xB20, $0x38;
	[tilespmem:$0x12558] =	vst v63  }
0x58: {  	s15 =	rddreg [dreg:$0xe];
	s18 =	simm.s32 $0xFE58;
	s20 =	sor.u32 $0x1, s0  }
0x59: {  	[tilespmem:s18], [sflag:$0x1] =	stream.linear.gather [hbm4b:s15+s2], $0xB20, $0x38;
	[tilespmem:$0x12558] =	vst v63  }
0x5a: {  	s5 =	smul.u32 $0xAB, s0;
	s15 =	sand.u32 $0xFF, s20  }
0x5b: {  	s7 =	rddreg [dreg:$0xf];
	s18 =	simm.s32 $0x10B58;
	s15 =	smul.u32 $0xAB, s15  }
0x5c: {  	[tilespmem:s18], [sflag:$0x1] =	stream.linear.gather [hbm4b:s7+s2], $0xB20, $0x38;
	[tilespmem:$0x12558] =	vst v63  }
0x5d: {  	s5 =	sshrl.u32 s5, $0xA;
	s15 =	sshrl.u32 s15, $0xA  }
0x5e: {  	s5 =	sand.u32 $0x3F, s5;
	s23 =	smul.u32 $0x6, s15  }
0x5f: {  	s15 =	smul.u32 $0x2E00, s5  }
0x60: {  	s4 =	simm.s32 $0x0;
	s5 =	smul.u32 $0x6, s5;
	s18 =	ssub.s32 s20, s23  }
.LBB2_3:
0x61: {  	s0 =	sadd.s32 $0x2, s0;
	s15 =	sshrl.u32 s15, $0x2;
	s18 =	sand.u32 $0xFF, s18  }
0x62: {  	s20 =	sor.u32 $0x1, s0;
	s15 =	sadd.s32 $0x6D78, s15;
	s18 =	sshll.u32 s18, $0x4  }
0x63: {  	s23 =	smul.u32 $0xAB, s0;
	s7 =	sand.u32 $0xFF, s20;
	s18 =	sadd.s32 s18, s15  }
0x64: {  	p4 =	slt.u32 s0, $0x16;
	s4 =	ssub.s32 s4, s5;
	s7 =	smul.u32 $0xAB, s7;
	[tilespmem:s18+$0x0] =	vst v0  }
.Ltmp3:
0x65: {  	s5 =	sand.u32 $0xFF, s4;
	s4 =	smov.u32 s0;
	(pc) =	sbr.rel @p4 .LBB2_3-.Ltmp3, $4  }
0x66: {  	s18 =	sshrl.u32 s23, $0xA;
	s5 =	sshll.u32 s5, $0x4;
	s7 =	sshrl.u32 s7, $0xA  }
0x67: {  	s18 =	sand.u32 $0x3F, s18;
	s5 =	sadd.s32 s5, s15;
	s7 =	smul.u32 $0x6, s7  }
0x68: {  	s15 =	smul.u32 $0x2E00, s18;
	[tilespmem:s5+$0x0] =	vst v0  }
0x69: {  	s5 =	smul.u32 $0x6, s18;
	s18 =	ssub.s32 s20, s7  }
0x6a: {  	_ = 	snop  }
0x6b: {  	s0 =	sshrl.u32 s15, $0x2;
	s7 =	sand.u32 $0xFF, s18;
	s4 =	ssub.s32 s4, s5  }
0x6c: {  	s0 =	sadd.s32 $0x6D78, s0;
	s23 =	sshll.u32 s7, $0x4;
	s4 =	sand.u32 $0xFF, s4  }
0x6d: {  	s5 =	sadd.s32 s23, s0;
	s4 =	sshll.u32 s4, $0x4  }
0x6e: {  	[tilespmem:s5+$0x0] =	vst v0;
	s0 =	sadd.s32 s4, s0  }
0x6f: {  	[tilespmem:s0+$0x0] =	vst v0  }
.LBB2_5:
0x70: {  	s0 =	simm.s32 $0xCA78  }
0x71: {  	[tilespmem:s0+$0xFFFFFFE0] =	vst v1  }
0x72: {  	[tilespmem:s0+$0x10] =	vst v1  }
0x73: {  	s4 =	simm.s32 $0x0;
	[tilespmem:s0+$0x0] =	vst v1  }
.LBB2_6:
0x74: {  	s4 =	sadd.s32 $0x4, s4  }
0x75: {  	[tilespmem:s0+$0xFFFFFFF0] =	vst v1;
	s0 =	sadd.s32 $0x40, s0;
	p4 =	slt.u32 s4, $0xC  }
.Ltmp4:
0x76: {  	[tilespmem:s0+$0xFFFFFFE0] =	vst v1;
	(pc) =	sbr.rel @p4 .LBB2_6-.Ltmp4, $3  }
0x77: {  	_ =	sdelay $0x1  }
0x78: {  	[tilespmem:s0+$0x10] =	vst v1  }
0x79: {  	[tilespmem:s0+$0x0] =	vst v1  }
.Ltmp5:
0x7a: {  	[tilespmem:s0+$0xFFFFFFF0] =	vst v1;
	(pc) =	sbr.rel @p0 .LBB2_13-.Ltmp5, $4  }
0x7b: {  	[spmem:s21] =	stream.linear.scatter [tilespmem:s3], [sflag:$0x3], $0x100, $0x38;
	[tilespmem:$0x12558] =	vst v63  }
0x7c: {  	_ =	swait.ge [sflag:s1], $0x100  }
0x7d: {  	[sflag:s1] =	ssyncset.done $0x0  }
0x7e: {  	[sflag:s1] =	ssyncadd.s32 $0xFFFFFF00  }
0x7f: {  	_ =	swait.ge [sflag:s14], $0x30B0  }
0x80: {  	[sflag:s14] =	ssyncset.done $0x0  }
0x81: {  	s0 =	simm.s32 $0x9658;
	s23 =	simm.s32 $0x9678;
	[sflag:s14] =	ssyncadd.s32 $0xFFFFCF50  }
0x82: {  	[spmem:s31] =	stream.linear.scatter [tilespmem:s0], [sflag:$0x2], $0x30B0, $0x38;
	[tilespmem:$0x12558] =	vst v63  }
0x83: {  	v2 =	vld [tilespmem:s23+$0xFFFFFFE0]  }
0x84: {  	v3 =	vld [tilespmem:s23+$0x10]  }
0x85: {  	v5 =	vld [tilespmem:s23+$0x0];
	_ =	sdelay $0x1  }
0x86: {  	v6 =	vld [tilespmem:s23+$0xFFFFFFF0]  }
0x87: {  	s4 =	simm.s32 $0x96B8;
	v7 =	vsub.f32 $0.0e+00, v2  }
0x88: {  	s0 =	simm.s32 $0xCA78;
	v4 =	vld [tilespmem:s4+$0xFFFFFFE0];
	v8 =	vsub.f32 $0.0e+00, v3  }
0x89: {  	v2 =	vld [tilespmem:s4+$0x10];
	[tilespmem:s0+$0xFFFFFFE0] =	vst v7;
	v7 =	vsub.f32 $0.0e+00, v5  }
0x8a: {  	v3 =	vld [tilespmem:s4+$0x0];
	[tilespmem:s0+$0x10] =	vst v8  }
0x8b: {  	s5 =	simm.s32 $0x4;
	v6 =	vsub.f32 $0.0e+00, v6;
	v5 =	vld [tilespmem:s4+$0xFFFFFFF0];
	[tilespmem:s0+$0x0] =	vst v7  }
.LBB2_9:
0x8c: {  	s5 =	sadd.s32 $0x4, s5  }
0x8d: {  	[tilespmem:s0+$0xFFFFFFF0] =	vst v6;
	s0 =	sadd.s32 $0x40, s0;
	p4 =	slt.u32 s5, $0x304  }
.Ltmp6:
0x8e: {  	s4 =	sadd.s32 $0x40, s4;
	v6 =	vsub.f32 $0.0e+00, v4;
	(pc) =	sbr.rel @p4 .LBB2_9-.Ltmp6, $4  }
0x8f: {  	v4 =	vld [tilespmem:s4+$0xFFFFFFE0];
	v7 =	vsub.f32 $0.0e+00, v2  }
0x90: {  	v2 =	vld [tilespmem:s4+$0x10];
	[tilespmem:s0+$0xFFFFFFE0] =	vst v6;
	v8 =	vsub.f32 $0.0e+00, v3  }
0x91: {  	v3 =	vld [tilespmem:s4+$0x0];
	v6 =	vsub.f32 $0.0e+00, v5;
	[tilespmem:s0+$0x10] =	vst v7  }
0x92: {  	v5 =	vld [tilespmem:s4+$0xFFFFFFF0];
	[tilespmem:s0+$0x0] =	vst v8  }
0x93: {  	_ = 	snop  }
0x94: {  	v4 =	vsub.f32 $0.0e+00, v4  }
0x95: {  	[tilespmem:s0+$0xFFFFFFF0] =	vst v6;
	s23 =	sadd.s32 $0x40, s0;
	v2 =	vsub.f32 $0.0e+00, v2  }
0x96: {  	[tilespmem:s23+$0xFFFFFFE0] =	vst v4;
	v3 =	vsub.f32 $0.0e+00, v3  }
0x97: {  	v63 =	vsub.f32 $0.0e+00, v5;
	[tilespmem:s23+$0x10] =	vst v2  }
0x98: {  	[tilespmem:s23+$0x0] =	vst v3  }
0x99: {  	s0 =	simm.s32 $0x0;
	[tilespmem:s23+$0xFFFFFFF0] =	vst v63  }
.LBB2_11:
0x9a: {  	s4 =	sshra.s32 s0, $0x2  }
0x9b: {  	v2 =	vld [tilespmem:s4+$0xC6D8];
	_ =	sdelay $0x1  }
0x9c: {  	p4 =	sne.s32 s0, $0x80  }
.Ltmp7:
0x9d: {  	_ = 	snop;
	(pc) =	sbr.rel @p4 .LBB2_11-.Ltmp7, $3  }
0x9e: {  	_ = 	snop  }
0x9f: {  	v2 =	vsub.f32 $0.0e+00, v2;
	_ =	sdelay $0x1  }
0xa0: {  	s0 =	sadd.s32 $0x40, s0;
	[tilespmem:s4+$0xFAD8] =	vst v2  }
0xa1: {  	[spmem:s22] =	stream.linear.scatter [tilespmem:s3], [sflag:$0x3], $0x30B0, $0x38;
	[tilespmem:$0x12558] =	vst v63  }
0xa2: {  	_ =	swait.ge [sflag:s1], $0x30B0  }
.Ltmp8:
0xa3: {  	[sflag:s1] =	ssyncset.done $0x0;
	(pc) =	sbr.rel .LBB2_18-.Ltmp8, $4  }
0xa4: {  	[sflag:s1] =	ssyncadd.s32 $0xFFFFCF50  }
0xa5: {  	_ =	swait.ge [sflag:s14], $0x30B0  }
0xa6: {  	[sflag:s14] =	ssyncset.done $0x0  }
0xa7: {  	[sflag:s14] =	ssyncadd.s32 $0xFFFFCF50  }
.LBB2_13:
0xa8: {  	_ =	swait.ge [sflag:s14], $0x3066  }
0xa9: {  	[sflag:s14] =	ssyncset.done $0x0  }
0xaa: {  	s0 =	simm.s32 $0x9658;
	s23 =	simm.s32 $0x9678;
	[sflag:s14] =	ssyncadd.s32 $0xFFFFCF9A  }
0xab: {  	[spmem:s31] =	stream.linear.scatter [tilespmem:s0], [sflag:$0x2], $0x3066, $0x38;
	[tilespmem:$0x12558] =	vst v63  }
0xac: {  	v2 =	vld [tilespmem:s23+$0xFFFFFFE0]  }
0xad: {  	v3 =	vld [tilespmem:s23+$0x10]  }
0xae: {  	v5 =	vld [tilespmem:s23+$0x0];
	_ =	sdelay $0x1  }
0xaf: {  	v6 =	vld [tilespmem:s23+$0xFFFFFFF0]  }
0xb0: {  	s4 =	simm.s32 $0x96B8;
	v7 =	vsub.f32 $0.0e+00, v2  }
0xb1: {  	s0 =	simm.s32 $0xCA78;
	v4 =	vld [tilespmem:s4+$0xFFFFFFE0];
	v8 =	vsub.f32 $0.0e+00, v3  }
0xb2: {  	v2 =	vld [tilespmem:s4+$0x10];
	[tilespmem:s0+$0xFFFFFFE0] =	vst v7;
	v7 =	vsub.f32 $0.0e+00, v5  }
0xb3: {  	v3 =	vld [tilespmem:s4+$0x0];
	[tilespmem:s0+$0x10] =	vst v8  }
0xb4: {  	s5 =	simm.s32 $0x4;
	v6 =	vsub.f32 $0.0e+00, v6;
	v5 =	vld [tilespmem:s4+$0xFFFFFFF0];
	[tilespmem:s0+$0x0] =	vst v7  }
.LBB2_14:
0xb5: {  	s5 =	sadd.s32 $0x4, s5  }
0xb6: {  	[tilespmem:s0+$0xFFFFFFF0] =	vst v6;
	s0 =	sadd.s32 $0x40, s0;
	p4 =	slt.u32 s5, $0x300  }
.Ltmp9:
0xb7: {  	s4 =	sadd.s32 $0x40, s4;
	v6 =	vsub.f32 $0.0e+00, v4;
	(pc) =	sbr.rel @p4 .LBB2_14-.Ltmp9, $4  }
0xb8: {  	v4 =	vld [tilespmem:s4+$0xFFFFFFE0];
	v7 =	vsub.f32 $0.0e+00, v2  }
0xb9: {  	v2 =	vld [tilespmem:s4+$0x10];
	[tilespmem:s0+$0xFFFFFFE0] =	vst v6;
	v8 =	vsub.f32 $0.0e+00, v3  }
0xba: {  	v3 =	vld [tilespmem:s4+$0x0];
	v6 =	vsub.f32 $0.0e+00, v5;
	[tilespmem:s0+$0x10] =	vst v7  }
0xbb: {  	v5 =	vld [tilespmem:s4+$0xFFFFFFF0];
	[tilespmem:s0+$0x0] =	vst v8  }
0xbc: {  	_ = 	snop  }
0xbd: {  	v4 =	vsub.f32 $0.0e+00, v4  }
0xbe: {  	[tilespmem:s0+$0xFFFFFFF0] =	vst v6;
	s23 =	sadd.s32 $0x40, s0;
	v2 =	vsub.f32 $0.0e+00, v2  }
0xbf: {  	[tilespmem:s23+$0xFFFFFFE0] =	vst v4;
	v3 =	vsub.f32 $0.0e+00, v3  }
0xc0: {  	v63 =	vsub.f32 $0.0e+00, v5;
	[tilespmem:s23+$0x10] =	vst v2  }
0xc1: {  	[tilespmem:s23+$0x0] =	vst v3  }
0xc2: {  	s0 =	simm.s32 $0x0;
	[tilespmem:s23+$0xFFFFFFF0] =	vst v63  }
.LBB2_16:
0xc3: {  	s4 =	sshra.s32 s0, $0x2  }
0xc4: {  	v2 =	vld [tilespmem:s4+$0xC698];
	_ =	sdelay $0x1  }
0xc5: {  	p4 =	sne.s32 s0, $0x80  }
.Ltmp10:
0xc6: {  	_ = 	snop;
	(pc) =	sbr.rel @p4 .LBB2_16-.Ltmp10, $3  }
0xc7: {  	_ = 	snop  }
0xc8: {  	v2 =	vsub.f32 $0.0e+00, v2;
	_ =	sdelay $0x1  }
0xc9: {  	s0 =	sadd.s32 $0x40, s0;
	[tilespmem:s4+$0xFA98] =	vst v2  }
0xca: {  	[spmem:s22] =	stream.linear.scatter [tilespmem:s3], [sflag:$0x3], $0x3070, $0x38;
	[tilespmem:$0x12558] =	vst v63  }
0xcb: {  	_ =	swait.ge [sflag:s1], $0x3070  }
0xcc: {  	[sflag:s1] =	ssyncset.done $0x0  }
0xcd: {  	[sflag:s1] =	ssyncadd.s32 $0xFFFFCF90  }
0xce: {  	_ =	swait.ge [sflag:s14], $0x3066  }
0xcf: {  	[sflag:s14] =	ssyncset.done $0x0  }
0xd0: {  	[sflag:s14] =	ssyncadd.s32 $0xFFFFCF9A  }
.LBB2_18:
0xd1: {  	s0 =	simm.s32 @!p3 $0x1  }
0xd2: {  	_ =	swait.ge @!p3 [sflag:s0], $0xCF0  }
0xd3: {  	[sflag:s0] =	ssyncset.done @!p3 $0x0  }
0xd4: {  	[sflag:s0] =	ssyncadd.s32 @!p3 $0xFFFFF310  }
0xd5: {  	_ =	swait.ge @!p3 [sflag:s0], $0xCF0  }
0xd6: {  	[sflag:s0] =	ssyncset.done @!p3 $0x0  }
0xd7: {  	[sflag:s0] =	ssyncadd.s32 @!p3 $0xFFFFF310  }
0xd8: {  	_ =	swait.ge @!p3 [sflag:s0], $0xCF0  }
0xd9: {  	[sflag:s0] =	ssyncset.done @!p3 $0x0  }
0xda: {  	[sflag:s0] =	ssyncadd.s32 @!p3 $0xFFFFF310  }
0xdb: {  	_ =	swait.ge @!p3 [sflag:s0], $0xCF0  }
0xdc: {  	[sflag:s0] =	ssyncset.done @!p3 $0x0  }
0xdd: {  	[sflag:s0] =	ssyncadd.s32 @!p3 $0xFFFFF310  }
0xde: {  	_ =	swait.ge @!p3 [sflag:s0], $0xCF0  }
0xdf: {  	[sflag:s0] =	ssyncset.done @!p3 $0x0  }
0xe0: {  	[sflag:s0] =	ssyncadd.s32 @!p3 $0xFFFFF310  }
0xe1: {  	_ =	swait.ge @!p3 [sflag:s0], $0xCF0  }
0xe2: {  	[sflag:s0] =	ssyncset.done @!p3 $0x0  }
0xe3: {  	[sflag:s0] =	ssyncadd.s32 @!p3 $0xFFFFF310;
	s0 =	simm.s32 @p2 $0x1  }
0xe4: {  	_ =	swait.ge @p2 [sflag:s0], $0xB80  }
0xe5: {  	[sflag:s0] =	ssyncset.done @p2 $0x0  }
0xe6: {  	[sflag:s0] =	ssyncadd.s32 @p2 $0xFFFFF480  }
0xe7: {  	_ =	swait.ge @p2 [sflag:s0], $0xB80  }
0xe8: {  	[sflag:s0] =	ssyncset.done @p2 $0x0  }
0xe9: {  	[sflag:s0] =	ssyncadd.s32 @p2 $0xFFFFF480  }
0xea: {  	_ =	swait.ge @p2 [sflag:s0], $0xB80  }
0xeb: {  	[sflag:s0] =	ssyncset.done @p2 $0x0  }
0xec: {  	[sflag:s0] =	ssyncadd.s32 @p2 $0xFFFFF480  }
0xed: {  	_ =	swait.ge @p2 [sflag:s0], $0xB80  }
0xee: {  	[sflag:s0] =	ssyncset.done @p2 $0x0  }
0xef: {  	[sflag:s0] =	ssyncadd.s32 @p2 $0xFFFFF480  }
0xf0: {  	_ =	swait.ge @p2 [sflag:s0], $0xB80  }
0xf1: {  	[sflag:s0] =	ssyncset.done @p2 $0x0  }
0xf2: {  	[sflag:s0] =	ssyncadd.s32 @p2 $0xFFFFF480  }
0xf3: {  	_ =	swait.ge @p2 [sflag:s0], $0xB80  }
0xf4: {  	[sflag:s0] =	ssyncset.done @p2 $0x0  }
0xf5: {  	[sflag:s0] =	ssyncadd.s32 @p2 $0xFFFFF480;
	s0 =	simm.s32 @p1 $0x1  }
0xf6: {  	_ =	swait.ge @p1 [sflag:s0], $0xB20  }
0xf7: {  	[sflag:s0] =	ssyncset.done @p1 $0x0  }
0xf8: {  	[sflag:s0] =	ssyncadd.s32 @p1 $0xFFFFF4E0  }
0xf9: {  	_ =	swait.ge @p1 [sflag:s0], $0xB20  }
0xfa: {  	[sflag:s0] =	ssyncset.done @p1 $0x0  }
0xfb: {  	[sflag:s0] =	ssyncadd.s32 @p1 $0xFFFFF4E0  }
0xfc: {  	_ =	swait.ge @p1 [sflag:s0], $0xB20  }
0xfd: {  	[sflag:s0] =	ssyncset.done @p1 $0x0  }
0xfe: {  	[sflag:s0] =	ssyncadd.s32 @p1 $0xFFFFF4E0  }
0xff: {  	_ =	swait.ge @p1 [sflag:s0], $0xB20  }
0x100: {  	[sflag:s0] =	ssyncset.done @p1 $0x0  }
0x101: {  	[sflag:s0] =	ssyncadd.s32 @p1 $0xFFFFF4E0  }
0x102: {  	_ =	swait.ge @p1 [sflag:s0], $0xB20  }
0x103: {  	[sflag:s0] =	ssyncset.done @p1 $0x0  }
0x104: {  	[sflag:s0] =	ssyncadd.s32 @p1 $0xFFFFF4E0  }
.Ltmp11:
0x105: {  	_ =	swait.ge @p1 [sflag:s0], $0xB20;
	(pc) =	sbr.rel @p3 .LBB2_24-.Ltmp11, $3  }
0x106: {  	[sflag:s0] =	ssyncset.done @p1 $0x0  }
0x107: {  	[sflag:s0] =	ssyncadd.s32 @p1 $0xFFFFF4E0  }
0x108: {  	[bflag:$0x0] =	sbarrier.arrive $0xFFFF;
	_ =	sdelay $0x1  }
0x109: {  	s18 =	simm.s32 $0x9658  }
0x10a: {  	s0 =	rddreg [dreg:$0x5];
	s4 =	simm.s32 $0x6258;
	s5 =	simm.s32 $0x33C0  }
0x10b: {  	[tilespmem:s18], [sflag:$0x1] =	stream.indirect.gather [spmem:s0], $0x1, s4, s5, $0xb8;
	[tilespmem:$0x12558] =	vst v63  }
0x10c: {  	_ =	swait.ge [sflag:s16], $0x33C0  }
0x10d: {  	[sflag:s16] =	ssyncset.done $0x0  }
0x10e: {  	s20 =	simm.s32 $0x10B78;
	[sflag:s16] =	ssyncadd.s32 $0xFFFFCC40  }
0x10f: {  	v2 =	vld [tilespmem:s20+$0x10]  }
0x110: {  	v3 =	vld [tilespmem:s20+$0xFFFFFFE0]  }
0x111: {  	v4 =	vld [tilespmem:s20+$0xFFFFFFF0]  }
0x112: {  	v5 =	vld [tilespmem:s18+$0x30]  }
0x113: {  	v6 =	vld [tilespmem:s18+$0xD20]  }
0x114: {  	v7 =	vld [tilespmem:s20+$0x0]  }
0x115: {  	s15 =	simm.s32 $0x0;
	v8 =	vld [tilespmem:s18+$0x1A10]  }
0x116: {  	s23 =	sand.u32 $0xFC0, s15;
	v9 =	vld [tilespmem:s18+$0xCF0]  }
0x117: {  	v10 =	vld [tilespmem:s23+$0xBD58]  }
0x118: {  	v11 =	vld [tilespmem:s23+$0xA358];
	(erf) = vrcp.f32 v2  }
0x119: {  	s20 =	simm.s32 $0xFE78;
	v13 =	vld [tilespmem:s18+$0x19F0]  }
0x11a: {  	v12 =	vld [tilespmem:s20+$0x10]  }
0x11b: {  	v5 =	vadd.f32 v6, v5;
	v6 =	vld [tilespmem:s18+$0x0];
	(erf) = vrcp.f32 v3  }
0x11c: {  	v3 =	vld [tilespmem:s18+$0x20];
	(erf) = vrcp.f32 v4  }
0x11d: {  	v4 =	vld [tilespmem:s18+$0xD10];
	(erf) = vrcp.f32 v7  }
0x11e: {  	v2 =	vld [tilespmem:s18+$0x10];
	v5 =	vadd.f32 v8, v5  }
0x11f: {  	v8 =	vld [tilespmem:s18+$0x19E0]  }
0x120: {  	v14 =	vld [tilespmem:s18+$0x26D0];
	v10 =	vadd.f32 v10, v5  }
0x121: {  	v7 =	vld [tilespmem:s23+$0xB058];
	v15 =	vpop (erf)  }
0x122: {  	v5 =	vld [tilespmem:s18+$0x26E0];
	v9 =	vadd.f32 v9, v6;
	v4 =	vadd.f32 v4, v3;
	v10 =	vmul.f32 v15, v10  }
0x123: {  	vm0 =	veq.s32 v12, $0x0;
	v6 =	vld [tilespmem:s18+$0x26F0];
	v11 =	vadd.f32 v11, v2  }
0x124: {  	s23 =	simm.s32 $0x11878;
	v2 =	vpop (erf);
	v15 =	vadd.f32 v8, v9;
	v9 =	vld [tilespmem:s20+$0xFFFFFFE0];
	v12 =	vnsel vm0, $0x0, v10  }
0x125: {  	v8 =	vld [tilespmem:s20+$0xFFFFFFF0];
	v3 =	vpop (erf);
	[tilespmem:s23+$0x10] =	vst v12;
	v12 =	vadd.f32 v13, v11  }
0x126: {  	s0 =	simm.s32 $0x0;
	s4 =	simm.s32 $0x10BB8;
	s5 =	simm.s32 $0x0;
	v10 =	vadd.f32 v7, v4;
	v4 =	vpop (erf);
	v7 =	vld [tilespmem:s20+$0x0];
	v11 =	vadd.f32 v14, v15  }
.LBB2_20:
0x127: {  	v13 =	vld [tilespmem:s4+$0x10];
	s0 =	sadd.s32 $0x4, s0;
	v5 =	vadd.f32 v5, v12  }
0x128: {  	v12 =	vld [tilespmem:s4+$0xFFFFFFE0];
	p4 =	slt.u32 s0, $0xC8;
	v2 =	vmul.f32 v2, v11;
	v6 =	vadd.f32 v6, v10  }
0x129: {  	s18 =	sadd.s32 $0x40, s18;
	v10 =	vld [tilespmem:s4+$0xFFFFFFF0];
	vm0 =	veq.s32 v9, $0x0;
	v3 =	vmul.f32 v3, v5  }
0x12a: {  	v5 =	vld [tilespmem:s18+$0x30];
	v2 =	vnsel vm0, $0x0, v2;
	vm0 =	veq.s32 v8, $0x0;
	v4 =	vmul.f32 v4, v6  }
0x12b: {  	v6 =	vld [tilespmem:s18+$0xD20];
	[tilespmem:s23+$0xFFFFFFE0] =	vst v2;
	v2 =	vnsel vm0, $0x0, v3;
	vm0 =	veq.s32 v7, $0x0  }
0x12c: {  	v3 =	vld [tilespmem:s4+$0x0];
	(erf) = vrcp.f32 v13;
	[tilespmem:s23+$0xFFFFFFF0] =	vst v2;
	v2 =	vnsel vm0, $0x0, v4  }
0x12d: {  	s5 =	sadd.s32 $0x40, s5;
	v4 =	vld [tilespmem:s18+$0x1A10];
	(erf) = vrcp.f32 v12;
	[tilespmem:s23+$0x0] =	vst v2  }
0x12e: {  	s7 =	sand.u32 $0xFC0, s5;
	v7 =	vld [tilespmem:s18+$0xCF0];
	(erf) = vrcp.f32 v10  }
0x12f: {  	v2 =	vld [tilespmem:s7+$0xBD58]  }
0x130: {  	v8 =	vld [tilespmem:s7+$0xA358];
	v5 =	vadd.f32 v6, v5  }
0x131: {  	s20 =	sadd.s32 $0x40, s20;
	v6 =	vld [tilespmem:s18+$0x10];
	(erf) = vrcp.f32 v3  }
0x132: {  	v11 =	vadd.f32 v4, v5;
	v4 =	vld [tilespmem:s20+$0x10]  }
0x133: {  	v5 =	vld [tilespmem:s18+$0x20]  }
0x134: {  	v9 =	vld [tilespmem:s18+$0xD10];
	v12 =	vadd.f32 v2, v11  }
0x135: {  	v10 =	vld [tilespmem:s18+$0x0];
	v3 =	vpop (erf)  }
0x136: {  	v8 =	vadd.f32 v8, v6;
	v6 =	vld [tilespmem:s7+$0xB058];
	v11 =	vmul.f32 v3, v12;
	v2 =	vpop (erf)  }
0x137: {  	v12 =	vld [tilespmem:s18+$0x19E0];
	vm0 =	veq.s32 v4, $0x0;
	v3 =	vpop (erf)  }
0x138: {  	s23 =	sadd.s32 $0x40, s23;
	v13 =	vld [tilespmem:s18+$0x19F0];
	v14 =	vnsel vm0, $0x0, v11  }
0x139: {  	v11 =	vld [tilespmem:s18+$0x26D0];
	v9 =	vadd.f32 v9, v5;
	[tilespmem:s23+$0x10] =	vst v14  }
.Ltmp12:
0x13a: {  	v7 =	vadd.f32 v7, v10;
	v5 =	vld [tilespmem:s18+$0x26E0];
	v4 =	vpop (erf);
	(pc) =	sbr.rel @p4 .LBB2_20-.Ltmp12, $4  }
0x13b: {  	v10 =	vadd.f32 v6, v9;
	v6 =	vld [tilespmem:s18+$0x26F0]  }
0x13c: {  	v7 =	vadd.f32 v12, v7;
	v9 =	vld [tilespmem:s20+$0xFFFFFFE0]  }
0x13d: {  	v12 =	vadd.f32 v13, v8;
	v8 =	vld [tilespmem:s20+$0xFFFFFFF0]  }
0x13e: {  	s4 =	sadd.s32 $0x40, s4;
	v11 =	vadd.f32 v11, v7;
	v7 =	vld [tilespmem:s20+$0x0]  }
0x13f: {  	v5 =	vadd.f32 v5, v12  }
0x140: {  	v2 =	vmul.f32 v2, v11;
	v6 =	vadd.f32 v6, v10  }
0x141: {  	vm0 =	veq.s32 v9, $0x0;
	v3 =	vmul.f32 v3, v5  }
0x142: {  	v2 =	vnsel vm0, $0x0, v2;
	vm14 =	veq.s32 v8, $0x0;
	v4 =	vmul.f32 v4, v6  }
0x143: {  	[tilespmem:s23+$0xFFFFFFE0] =	vst v2;
	v2 =	vnsel vm14, $0x0, v3;
	vm15 =	veq.s32 v7, $0x0  }
0x144: {  	[tilespmem:s23+$0xFFFFFFF0] =	vst v2;
	v2 =	vnsel vm15, $0x0, v4  }
0x145: {  	[tilespmem:s23+$0x0] =	vst v2  }
.LBB2_22:
0x146: {  	s0 =	sshra.s32 s15, $0x2  }
0x147: {  	v2 =	vld [tilespmem:s0+$0x11818];
	_ =	sdelay $0x2  }
0x148: {  	v3 =	vld [tilespmem:s0+$0xA318]  }
0x149: {  	v4 =	vld [tilespmem:s0+$0xB008]  }
0x14a: {  	(erf) = vrcp.f32 v2  }
0x14b: {  	v2 =	vld [tilespmem:s0+$0xBCF8];
	_ =	sdelay $0x1  }
0x14c: {  	v5 =	vld [tilespmem:s0+$0xC9E8]  }
0x14d: {  	v3 =	vadd.f32 v4, v3;
	_ =	sdelay $0x1  }
0x14e: {  	v2 =	vadd.f32 v2, v3;
	v3 =	vld [tilespmem:s0+$0x10B18];
	_ =	sdelay $0x1  }
0x14f: {  	p4 =	seq.s32 s15, $0x80;
	v2 =	vadd.f32 v5, v2  }
.Ltmp13:
0x150: {  	v63 =	vpop (erf);
	(pc) =	sbr.rel @!p4 .LBB2_22-.Ltmp13, $4  }
0x151: {  	v2 =	vmul.f32 v63, v2  }
0x152: {  	vm0 =	veq.s32 v3, $0x0  }
0x153: {  	v2 =	vnsel vm0, $0x0, v2  }
0x154: {  	s15 =	sadd.s32 $0x40, s15;
	[tilespmem:s0+$0x12518] =	vst v2  }
.Ltmp14:
0x155: {  	s0 =	rddreg [dreg:$0x10];
	s4 =	simm.s32 $0x11858;
	(pc) =	sbr.rel .LBB2_27-.Ltmp14, $4  }
0x156: {  	[hbm4b:s0+s2] =	stream.linear.scatter [tilespmem:s4], [sflag:$0x3], $0xCF0, $0x38;
	[tilespmem:$0x12558] =	vst v63  }
0x157: {  	_ =	swait.ge [sflag:s1], $0xCF0  }
0x158: {  	[sflag:s1] =	ssyncset.done $0x0  }
0x159: {  	[sflag:s1] =	ssyncadd.s32 $0xFFFFF310  }
.LBB2_24:
0x15a: {  	s15 =	simm.s32 $0x9658  }
0x15b: {  	s0 =	rddreg [dreg:$0x5];
	s4 =	simm.s32 $0x6258;
	s5 =	simm.s32 $0x2E00  }
0x15c: {  	[tilespmem:s15], [sflag:$0x1] =	stream.indirect.gather [spmem:s0], $0x1, s4, s5, $0xb8;
	[tilespmem:$0x12558] =	vst v63  }
0x15d: {  	_ =	swait.ge [sflag:s16], $0x2E00  }
0x15e: {  	s23 =	simm.s32 $0x0;
	[sflag:s16] =	ssyncset.done $0x0  }
0x15f: {  	s0 =	sand.u32 $0xFC0, s23;
	[sflag:s16] =	ssyncadd.s32 $0xFFFFD200  }
0x160: {  	v3 =	vld [tilespmem:s0+$0xB8D8]  }
0x161: {  	v2 =	vld [tilespmem:s0+$0xAD58]  }
0x162: {  	s18 =	simm.s32 $0x10B78;
	v10 =	vld [tilespmem:s0+$0xA1D8]  }
0x163: {  	v4 =	vld [tilespmem:s18+$0x10]  }
0x164: {  	v5 =	vld [tilespmem:s18+$0xFFFFFFE0]  }
0x165: {  	v6 =	vld [tilespmem:s18+$0xFFFFFFF0]  }
0x166: {  	v7 =	vld [tilespmem:s15+$0x30]  }
0x167: {  	v8 =	vld [tilespmem:s15+$0xBB0]  }
0x168: {  	v9 =	vld [tilespmem:s18+$0x0]  }
0x169: {  	(erf) = vrcp.f32 v4;
	v4 =	vld [tilespmem:s15+$0x1730]  }
0x16a: {  	v11 =	vld [tilespmem:s15+$0x10]  }
0x16b: {  	(erf) = vrcp.f32 v5;
	v5 =	vld [tilespmem:s15+$0x22B0]  }
0x16c: {  	v12 =	vld [tilespmem:s15+$0xB90];
	(erf) = vrcp.f32 v6;
	v6 =	vadd.f32 v8, v7  }
0x16d: {  	v13 =	vld [tilespmem:s15+$0x20];
	(erf) = vrcp.f32 v9  }
0x16e: {  	s20 =	simm.s32 $0xFE78;
	v14 =	vld [tilespmem:s15+$0x0];
	v4 =	vadd.f32 v4, v6  }
0x16f: {  	v8 =	vld [tilespmem:s20+$0x10]  }
0x170: {  	v9 =	vld [tilespmem:s15+$0xBA0];
	v4 =	vadd.f32 v5, v4  }
0x171: {  	v15 =	vld [tilespmem:s15+$0x1710]  }
0x172: {  	v11 =	vadd.f32 v12, v11;
	v6 =	vld [tilespmem:s15+$0x1720];
	v5 =	vpop (erf)  }
0x173: {  	v7 =	vld [tilespmem:s15+$0x2290];
	v16 =	vmul.f32 v5, v4  }
0x174: {  	vm0 =	veq.s32 v8, $0x0;
	v8 =	vld [tilespmem:s15+$0x22A0];
	v4 =	vpop (erf)  }
0x175: {  	s23 =	simm.s32 $0x11878;
	v14 =	vadd.f32 v10, v14;
	v12 =	vadd.f32 v9, v13;
	v9 =	vld [tilespmem:s20+$0xFFFFFFE0];
	v5 =	vpop (erf);
	v13 =	vnsel vm0, $0x0, v16  }
0x176: {  	s4 =	simm.s32 $0x40;
	s0 =	simm.s32 $0x0;
	v10 =	vld [tilespmem:s20+$0xFFFFFFF0];
	[tilespmem:s23+$0x10] =	vst v13;
	v13 =	vadd.f32 v15, v11;
	v11 =	vpop (erf)  }
.LBB2_25:
0x177: {  	s5 =	sand.u32 $0xFC0, s4;
	v14 =	vadd.f32 v2, v14;
	v6 =	vadd.f32 v6, v12;
	v12 =	vld [tilespmem:s20+$0x0]  }
0x178: {  	v7 =	vadd.f32 v7, v13;
	v15 =	vld [tilespmem:s5+$0xB8D8]  }
0x179: {  	v2 =	vld [tilespmem:s5+$0xAD58];
	v3 =	vadd.f32 v3, v14;
	v6 =	vadd.f32 v8, v6  }
0x17a: {  	vm0 =	veq.s32 v9, $0x0;
	s18 =	sadd.s32 $0x40, s18;
	v5 =	vmul.f32 v5, v7;
	v13 =	vld [tilespmem:s5+$0xA1D8]  }
0x17b: {  	s0 =	sadd.s32 $0x4, s0;
	vm1 =	veq.s32 v10, $0x0;
	v7 =	vld [tilespmem:s18+$0x10];
	v14 =	vmul.f32 v4, v3;
	v4 =	vmul.f32 v11, v6  }
0x17c: {  	p4 =	slt.u32 s0, $0xB4;
	v5 =	vnsel vm1, $0x0, v5;
	v6 =	vld [tilespmem:s18+$0xFFFFFFE0];
	vm1 =	veq.s32 v12, $0x0  }
0x17d: {  	s15 =	sadd.s32 $0x40, s15;
	v8 =	vld [tilespmem:s18+$0xFFFFFFF0];
	v9 =	vnsel vm0, $0x0, v14;
	[tilespmem:s23+$0xFFFFFFF0] =	vst v5;
	v4 =	vnsel vm1, $0x0, v4;
	v3 =	vmov v15  }
0x17e: {  	v5 =	vld [tilespmem:s15+$0x30];
	[tilespmem:s23+$0xFFFFFFE0] =	vst v9  }
0x17f: {  	v9 =	vld [tilespmem:s15+$0xBB0];
	[tilespmem:s23+$0x0] =	vst v4  }
0x180: {  	v4 =	vld [tilespmem:s18+$0x0];
	(erf) = vrcp.f32 v7  }
0x181: {  	v7 =	vld [tilespmem:s15+$0x1730];
	(erf) = vrcp.f32 v6  }
0x182: {  	v6 =	vld [tilespmem:s15+$0x10];
	(erf) = vrcp.f32 v8  }
0x183: {  	v8 =	vld [tilespmem:s15+$0x22B0]  }
0x184: {  	v10 =	vld [tilespmem:s15+$0xB90];
	v5 =	vadd.f32 v9, v5  }
0x185: {  	s20 =	sadd.s32 $0x40, s20;
	v9 =	vld [tilespmem:s15+$0x20];
	(erf) = vrcp.f32 v4  }
0x186: {  	v4 =	vadd.f32 v7, v5;
	v5 =	vld [tilespmem:s20+$0x10]  }
0x187: {  	v11 =	vld [tilespmem:s15+$0xBA0]  }
0x188: {  	v14 =	vld [tilespmem:s15+$0x0];
	v8 =	vadd.f32 v8, v4  }
0x189: {  	v10 =	vadd.f32 v10, v6;
	v15 =	vld [tilespmem:s15+$0x1710];
	v7 =	vpop (erf)  }
.Ltmp15:
0x18a: {  	v6 =	vld [tilespmem:s15+$0x1720];
	v16 =	vmul.f32 v7, v8;
	v4 =	vpop (erf);
	(pc) =	sbr.rel @p4 .LBB2_25-.Ltmp15, $4  }
0x18b: {  	v7 =	vld [tilespmem:s15+$0x2290];
	vm0 =	veq.s32 v5, $0x0;
	v5 =	vpop (erf)  }
0x18c: {  	s23 =	sadd.s32 $0x40, s23;
	v12 =	vadd.f32 v11, v9;
	v8 =	vld [tilespmem:s15+$0x22A0];
	v16 =	vnsel vm0, $0x0, v16  }
0x18d: {  	v14 =	vadd.f32 v13, v14;
	v9 =	vld [tilespmem:s20+$0xFFFFFFE0];
	[tilespmem:s23+$0x10] =	vst v16  }
0x18e: {  	s4 =	sadd.s32 $0x40, s4;
	v13 =	vadd.f32 v15, v10;
	v10 =	vld [tilespmem:s20+$0xFFFFFFF0];
	v11 =	vpop (erf)  }
.Ltmp16:
0x18f: {  	_ = 	snop;
	(pc) =	sbr.rel .LBB2_26-.Ltmp16, $1  }
0x190: {  	_ =	sdelay $0x3  }
.LBB2_28:
0x191: {  	_ =	sfence.sel $0x180000  }
0x192: {  	[bflag:$0x0] =	sbarrier.arrive $0xFFFF  }
0x193: {  	_ =	strace $0x90000047  }
0x194: {  	s0 =	stileid.u32;
	[bflag:$0x2] =	sbarrier.arrive $0xFFFF  }
0x195: {  	p0 =	sne.s32 s0, $0x0;
	s0 =	rddreg [dreg:$0x6]  }
0x196: {  	s0 =	sadd.s32 @!p0 $0x100000, s0  }
0x197: {  	[sflag:s0] =	ssyncadd.tile.s32 @!p0 $0x1;
	_ =	shalt  }
.Lfunc_end2:
_tile_overlayer_lowered:
.L_overlay_start_2:
0x198: {  	(tag) =	ssettag $0x2  }
0x199: {  	s0 =	rddreg [dreg:$0x0];
	s2 =	stileid.u32  }
0x19a: {  	s1 =	rddreg [dreg:$0x1];
	p0 =	sne.s32 s2, $0x0  }
0x19b: {  	s3 =	rddreg [dreg:$0x2];
	[bflag:$0x3] =	sbarrier.arrive $0xFFFF;
	s2 =	simm.s32 @!p0 $0x1C03  }
0x19c: {  	[timem:s3], [sflag:s2] =	dma.local @!p0 [hbm:s0], s1  }
0x19d: {  	s0 =	simm.s32 @!p0 $0x3  }
0x19e: {  	_ =	swait.ge @!p0 [sflag:s0], s1  }
0x19f: {  	s1 =	ssub.s32 @!p0 $0x0, s1;
	[sflag:s0] =	ssyncset.done @!p0 $0x0  }
0x1a0: {  	[sflag:s0] =	ssyncadd.s32 @!p0 s1  }
0x1a1: {  	[bflag:$0x3] =	sbarrier.arrive $0xFFFF  }
0x1a2: {  	_ =	shalt  }

</sc_bundles>
